<compile_context>
chip_gen: v7x
topology: tpu7x:2x2x1
jax: 0.10.2.dev20260603
libtpu: 0.0.44.dev20260713+nightly
codegen_flags: <defaults>
</compile_context>

<pallas_src>
import functools

import numpy as np
import jax
import jax.numpy as jnp
from jax import lax
from jax.experimental import pallas as pl
from jax.experimental.pallas import tpu as pltpu
from jax.experimental.pallas import tpu_sc as plsc

_P = 0.5
_BS = 8
_C = 5
_H, _W = 64, 2048
_N = _H * _W
_ND = int(_N * _P)
_NQ = 4
_CH = _N // _NQ
_ROWS = _H // _NQ
_NW = _BS * _NQ
_LANES = 16
_UNROLL = 8



_U = np.uint32


def _tf2x32(k1, k2, x1, x2):
    rot0 = (13, 15, 26, 6)
    rot1 = (17, 29, 16, 24)
    ks0 = _U(k1)
    ks1 = _U(k2)
    ks2 = _U(ks0 ^ ks1 ^ _U(0x1BD11BDA))
    x = [(x1 + ks0).astype(_U), (x2 + ks1).astype(_U)]

    def rounds(x, rots):
        for r in rots:
            a = (x[0] + x[1]).astype(_U)
            b = ((x[1] << _U(r)) | (x[1] >> _U(32 - r))).astype(_U)
            x = [a, a ^ b]
        return x

    x = rounds(x, rot0); x = [(x[0] + ks1).astype(_U), (x[1] + ks2 + _U(1)).astype(_U)]
    x = rounds(x, rot1); x = [(x[0] + ks2).astype(_U), (x[1] + ks0 + _U(2)).astype(_U)]
    x = rounds(x, rot0); x = [(x[0] + ks0).astype(_U), (x[1] + ks1 + _U(3)).astype(_U)]
    x = rounds(x, rot1); x = [(x[0] + ks1).astype(_U), (x[1] + ks2 + _U(4)).astype(_U)]
    x = rounds(x, rot0); x = [(x[0] + ks2).astype(_U), (x[1] + ks0 + _U(5)).astype(_U)]
    return x


def _fold_in(key, data):
    o1, o2 = _tf2x32(key[0], key[1], np.array([0], _U), np.array([data], _U))
    return (o1[0], o2[0])


def _split2(key):
    b1, b2 = _tf2x32(key[0], key[1], np.array([0, 0], _U), np.array([0, 1], _U))
    return (b1[0], b2[0]), (b1[1], b2[1])


def _permutation(key, n):
    x = np.arange(n, dtype=np.int32)
    num_rounds = int(np.ceil(3 * np.log(n) / np.log(2**32 - 1)))
    for _ in range(num_rounds):
        key, sub = _split2(key)
        c1 = np.zeros(n, _U)
        c2 = np.arange(n, dtype=_U)
        b1, b2 = _tf2x32(sub[0], sub[1], c1, c2)
        x = x[np.argsort(b1 ^ b2, kind="stable")]
    return x


def _build_drop_index_table() -> np.ndarray:
    key42 = (_U(0), _U(42))
    buckets = []
    for b in range(_BS):
        perm = _permutation(_fold_in(key42, b + 1), _N)
        drop = perm[:_ND]
        for q in range(_NQ):
            sel = drop[(drop >= q * _CH) & (drop < (q + 1) * _CH)] - q * _CH
            buckets.append(sel.astype(np.int32))
    maxc = max(len(s) for s in buckets)
    pad = -(-maxc // (_LANES * _UNROLL)) * (_LANES * _UNROLL)
    arr = np.empty((_NW, pad), np.int32)
    for i, s in enumerate(buckets):
        arr[i, : len(s)] = s
        arr[i, len(s):] = s[0]
    return arr


_IDX = _build_drop_index_table()
_PAD = _IDX.shape[1]


@functools.partial(
    pl.kernel,
    out_type=jax.ShapeDtypeStruct((_BS, _C, _H, _W), jnp.float32),
    mesh=plsc.VectorSubcoreMesh(core_axis_name="c", subcore_axis_name="s",
                                num_cores=2, num_subcores=16),
    compiler_params=pltpu.CompilerParams(use_tc_tiling_on_sc=True,
                                         needs_layout_passes=False),
    scratch_types=[
        pltpu.VMEM((_PAD,), jnp.int32),
        pltpu.VMEM((_ROWS, _W), jnp.float32),
        pltpu.VMEM((_ROWS, _W), jnp.float32),
        pltpu.VMEM((_ROWS, _W), jnp.float32),
        pltpu.SemaphoreType.DMA,
        pltpu.SemaphoreType.DMA,
        pltpu.SemaphoreType.DMA,
        pltpu.SemaphoreType.DMA,
        pltpu.SemaphoreType.DMA,
        pltpu.SemaphoreType.DMA,
        pltpu.SemaphoreType.DMA,
    ],
)
def _sc_drop(x_hbm, idx_hbm, out_hbm, idx_v, buf0, buf1, buf2,
             isem0, isem1, isem2, osem0, osem1, osem2, xsem):
    wid = lax.axis_index("s") * 2 + lax.axis_index("c")
    b = wid // _NQ
    q = lax.rem(wid, _NQ)
    row0 = q * _ROWS

    def slab(ref, c):
        return ref.at[b, c, pl.ds(row0, _ROWS), :]

    zeros = jnp.zeros((_LANES,), jnp.float32)

    def scatter_zeros(buf):
        @plsc.parallel_loop(0, _PAD, _LANES, unroll=_UNROLL)
        def _(i):
            iv = idx_v[pl.ds(i, _LANES)]
            ivr = lax.shift_right_logical(iv, 11)
            ivc = lax.bitwise_and(iv, 2047)
            plsc.store_scatter(buf, [ivr, ivc], zeros)

    bufs = (buf0, buf1, buf2)
    isems = (isem0, isem1, isem2)
    osems = (osem0, osem1, osem2)
    pending_out = [None, None, None]

    pltpu.async_copy(slab(x_hbm, 0), buf0, isem0)
    pltpu.async_copy(slab(x_hbm, 1), buf1, isem1)
    idx_cp = pltpu.async_copy(idx_hbm.at[pl.ds(wid * _PAD, _PAD)], idx_v, xsem)
    idx_cp.wait()
    for c in range(_C):
        cur = c % 3
        if c + 2 < _C:
            nxt = (c + 2) % 3
            if pending_out[nxt] is not None:
                pending_out[nxt].wait()
                pending_out[nxt] = None
            pltpu.async_copy(slab(x_hbm, c + 2), bufs[nxt], isems[nxt])
        pltpu.make_async_copy(slab(x_hbm, c), bufs[cur], isems[cur]).wait()
        scatter_zeros(bufs[cur])
        pending_out[cur] = pltpu.async_copy(
            bufs[cur], slab(out_hbm, c), osems[cur])
    for p in pending_out:
        if p is not None:
            p.wait()


def kernel(range_img):
    idx = jnp.asarray(_IDX.reshape(-1))
    return _sc_drop(range_img, idx)

# --- scband reference (transcript-rebuilt; emitter-appended) ---
"""Pipeline reference for scband-batch-drop-points3-d-26938034880786 (READ-ONLY COPY).

The authoritative reference and input builder live on the scoring server;
editing this copy changes nothing except your own understanding.
"""

import jax, jax.numpy as jnp
import numpy as np

P = 0.5
BS = 8

def setup_inputs(seed: int = 0) -> dict:
    key = jax.random.key(seed)
    range_img = jax.random.normal(key, (8, 5, 64, 2048), dtype=jnp.float32)
    return {"range_img": range_img}

def reference(range_img):
    # Faithful translation of BatchDropPoints3D.forward for the 'drop' branch.
    # The torch module gates the whole op on torch.rand(1) < p; here the gate is
    # taken deterministically (drop branch) with fixed JAX PRNG keys so the
    # reference is reproducible.
    key = jax.random.key(42)
    H, W = range_img.shape[-2], range_img.shape[-1]
    total_points = H * W
    num_to_drop = int(total_points * P)
    masks = []
    for b in range(BS):
        kb = jax.random.fold_in(key, b + 1)
        perm = jax.random.permutation(kb, total_points)  # torch.randperm analogue
        indices_to_drop = perm[:num_to_drop]
        m = jnp.ones((total_points,), dtype=bool).at[indices_to_drop].set(False)  # scatter-overwrite
        masks.append(m.reshape(H, W))
    mask = jnp.stack(masks, axis=0)  # [BS, H, W]
    # sample['range'][b, :, ~mask] = 0  ==  zero all channels where mask is False
    out = range_img * mask[:, None, :, :].astype(range_img.dtype)
    return out

if __name__ == "__main__":
    import jax
    _d = setup_inputs()
    print(jax.jit(kernel)(*tuple(_d.values())))

</pallas_src>

<mosaic_0001>
#map = affine_map<(d0, d1) -> (0, 0, 0, 0)>
#map1 = affine_map<(d0, d1) -> (0)>
module attributes {stable_mosaic.version = 14 : i64} {
  func.func @_sc_drop(%arg0: i32, %arg1: i32, %arg2: memref<8x5x64x2048xf32, #tpu.memory_space<hbm>>, %arg3: memref<532480xi32, #tpu.memory_space<hbm>>, %arg4: memref<8x5x64x2048xf32, #tpu.memory_space<hbm>>, %arg5: memref<16640xi32, #tpu.memory_space<vmem>>, %arg6: memref<16x2048xf32, #tpu.memory_space<vmem>>, %arg7: memref<16x2048xf32, #tpu.memory_space<vmem>>, %arg8: memref<16x2048xf32, #tpu.memory_space<vmem>>, %arg9: memref<!tpu.dma_semaphore, #tpu.memory_space<semaphore_mem>>, %arg10: memref<!tpu.dma_semaphore, #tpu.memory_space<semaphore_mem>>, %arg11: memref<!tpu.dma_semaphore, #tpu.memory_space<semaphore_mem>>, %arg12: memref<!tpu.dma_semaphore, #tpu.memory_space<semaphore_mem>>, %arg13: memref<!tpu.dma_semaphore, #tpu.memory_space<semaphore_mem>>, %arg14: memref<!tpu.dma_semaphore, #tpu.memory_space<semaphore_mem>>, %arg15: memref<!tpu.dma_semaphore, #tpu.memory_space<semaphore_mem>>) attributes {dimension_semantics = [#tpu.dimension_semantics<core_parallel>, #tpu.dimension_semantics<subcore_parallel>], iteration_bounds = array<i64: 2, 16>, scalar_prefetch = 0 : i64, scratch_operands = 11 : i64, tpu.core_type = #tpu.core_type<sc_vector_subcore>, window_params = [{transform_indices = #map}, {transform_indices = #map1}, {transform_indices = #map}]} {
    %mul3A = arith.constant 2 : i32
    %mul3A_0 = arith.muli %arg1, %mul3A : i32
    %add3A = arith.addi %mul3A_0, %arg0 : i32
    %jit3A = arith.constant 4 : i32
    %div3A = arith.divsi %add3A, %jit3A : i32
    %sign3A = arith.constant 0 : i32
    %sign3A_1 = arith.cmpi sgt, %add3A, %sign3A : i32
    %sign3A_2 = arith.extui %sign3A_1 : i1 to i32
    %sign3A_3 = arith.constant 0 : i32
    %sign3A_4 = arith.cmpi slt, %add3A, %sign3A_3 : i32
    %sign3A_5 = arith.extui %sign3A_4 : i1 to i32
    %sign3A_6 = arith.subi %sign3A_2, %sign3A_5 : i32
    %sign3A_7 = arith.constant 0 : i32
    %sign3A_8 = arith.cmpi sgt, %jit3A, %sign3A_7 : i32
    %sign3A_9 = arith.extui %sign3A_8 : i1 to i32
    %sign3A_10 = arith.constant 0 : i32
    %sign3A_11 = arith.cmpi slt, %jit3A, %sign3A_10 : i32
    %sign3A_12 = arith.extui %sign3A_11 : i1 to i32
    %sign3A_13 = arith.subi %sign3A_9, %sign3A_12 : i32
    %ne3A = arith.cmpi ne, %sign3A_6, %sign3A_13 : i32
    %rem3A = arith.remsi %add3A, %jit3A : i32
    %ne3A_14 = arith.constant 0 : i32
    %ne3A_15 = arith.cmpi ne, %rem3A, %ne3A_14 : i32
    %and3A = arith.andi %ne3A, %ne3A_15 : i1
    %sub3A = arith.constant 1 : i32
    %sub3A_16 = arith.subi %div3A, %sub3A : i32
    %select_n3A = arith.select %and3A, %sub3A_16, %div3A : i32
    %rem3A_17 = arith.constant 4 : i32
    %rem3A_18 = arith.remsi %add3A, %rem3A_17 : i32
    %mul3A_19 = arith.constant 16 : i32
    %mul3A_20 = arith.muli %rem3A_18, %mul3A_19 : i32
    %broadcast_in_dim3A = arith.constant 0.000000e+00 : f32
    %broadcast_in_dim3A_21 = vector.broadcast %broadcast_in_dim3A : f32 to vector<16xf32>
    %dma_start3A = arith.constant 0 : i32
    %dma_start3A_22 = arith.constant 0 : i32
    %dma_start3A_23 = tpu.memref_slice %arg2[%select_n3A, %dma_start3A, %mul3A_20, %dma_start3A_22] : memref<8x5x64x2048xf32, #tpu.memory_space<hbm>> -> memref<1x1x16x2048xf32, #tpu.memory_space<hbm>>
    %dma_start3A_24 = tpu.memref_squeeze %dma_start3A_23 : memref<1x1x16x2048xf32, #tpu.memory_space<hbm>> -> memref<16x2048xf32, #tpu.memory_space<hbm>>
    %dma_start3A_25 = arith.constant 0 : i32
    %dma_start3A_26 = tpu.memref_slice %arg2[%select_n3A, %dma_start3A, %mul3A_20, %dma_start3A_25] : memref<8x5x64x2048xf32, #tpu.memory_space<hbm>> -> memref<1x1x16x2048xf32, #tpu.memory_space<hbm>>
    %dma_start3A_27 = tpu.memref_squeeze %dma_start3A_26 : memref<1x1x16x2048xf32, #tpu.memory_space<hbm>> -> memref<16x2048xf32, #tpu.memory_space<hbm>>
    tpu.enqueue_dma source(%dma_start3A_27 : memref<16x2048xf32, #tpu.memory_space<hbm>>) target(%arg6 : memref<16x2048xf32, #tpu.memory_space<vmem>>) target_semaphore(%arg9 : memref<!tpu.dma_semaphore, #tpu.memory_space<semaphore_mem>>)
    %dma_start3A_28 = arith.constant 1 : i32
    %dma_start3A_29 = arith.constant 0 : i32
    %dma_start3A_30 = tpu.memref_slice %arg2[%select_n3A, %dma_start3A_28, %mul3A_20, %dma_start3A_29] : memref<8x5x64x2048xf32, #tpu.memory_space<hbm>> -> memref<1x1x16x2048xf32, #tpu.memory_space<hbm>>
    %dma_start3A_31 = tpu.memref_squeeze %dma_start3A_30 : memref<1x1x16x2048xf32, #tpu.memory_space<hbm>> -> memref<16x2048xf32, #tpu.memory_space<hbm>>
    %dma_start3A_32 = arith.constant 0 : i32
    %dma_start3A_33 = tpu.memref_slice %arg2[%select_n3A, %dma_start3A_28, %mul3A_20, %dma_start3A_32] : memref<8x5x64x2048xf32, #tpu.memory_space<hbm>> -> memref<1x1x16x2048xf32, #tpu.memory_space<hbm>>
    %dma_start3A_34 = tpu.memref_squeeze %dma_start3A_33 : memref<1x1x16x2048xf32, #tpu.memory_space<hbm>> -> memref<16x2048xf32, #tpu.memory_space<hbm>>
    tpu.enqueue_dma source(%dma_start3A_34 : memref<16x2048xf32, #tpu.memory_space<hbm>>) target(%arg7 : memref<16x2048xf32, #tpu.memory_space<vmem>>) target_semaphore(%arg10 : memref<!tpu.dma_semaphore, #tpu.memory_space<semaphore_mem>>)
    %mul3A_35 = arith.constant 16640 : i32
    %mul3A_36 = arith.muli %add3A, %mul3A_35 : i32
    %dma_start3A_37 = tpu.memref_slice %arg3[%mul3A_36] : memref<532480xi32, #tpu.memory_space<hbm>> -> memref<16640xi32, #tpu.memory_space<hbm>>
    %dma_start3A_38 = tpu.memref_slice %arg3[%mul3A_36] : memref<532480xi32, #tpu.memory_space<hbm>> -> memref<16640xi32, #tpu.memory_space<hbm>>
    tpu.enqueue_dma source(%dma_start3A_38 : memref<16640xi32, #tpu.memory_space<hbm>>) target(%arg5 : memref<16640xi32, #tpu.memory_space<vmem>>) target_semaphore(%arg15 : memref<!tpu.dma_semaphore, #tpu.memory_space<semaphore_mem>>)
    %dma_wait3A = tpu.memref_slice %arg3[%mul3A_36] : memref<532480xi32, #tpu.memory_space<hbm>> -> memref<16640xi32, #tpu.memory_space<hbm>>
    %dma_wait3A_39 = tpu.memref_slice %arg3[%mul3A_36] : memref<532480xi32, #tpu.memory_space<hbm>> -> memref<16640xi32, #tpu.memory_space<hbm>>
    tpu.wait_dma2 semaphore(%arg15 : memref<!tpu.dma_semaphore, #tpu.memory_space<semaphore_mem>>) src(%dma_wait3A_39 : memref<16640xi32, #tpu.memory_space<hbm>>) dst(%arg5 : memref<16640xi32, #tpu.memory_space<vmem>>)
    %dma_start3A_40 = arith.constant 2 : i32
    %dma_start3A_41 = arith.constant 0 : i32
    %dma_start3A_42 = tpu.memref_slice %arg2[%select_n3A, %dma_start3A_40, %mul3A_20, %dma_start3A_41] : memref<8x5x64x2048xf32, #tpu.memory_space<hbm>> -> memref<1x1x16x2048xf32, #tpu.memory_space<hbm>>
    %dma_start3A_43 = tpu.memref_squeeze %dma_start3A_42 : memref<1x1x16x2048xf32, #tpu.memory_space<hbm>> -> memref<16x2048xf32, #tpu.memory_space<hbm>>
    %dma_start3A_44 = arith.constant 0 : i32
    %dma_start3A_45 = tpu.memref_slice %arg2[%select_n3A, %dma_start3A_40, %mul3A_20, %dma_start3A_44] : memref<8x5x64x2048xf32, #tpu.memory_space<hbm>> -> memref<1x1x16x2048xf32, #tpu.memory_space<hbm>>
    %dma_start3A_46 = tpu.memref_squeeze %dma_start3A_45 : memref<1x1x16x2048xf32, #tpu.memory_space<hbm>> -> memref<16x2048xf32, #tpu.memory_space<hbm>>
    tpu.enqueue_dma source(%dma_start3A_46 : memref<16x2048xf32, #tpu.memory_space<hbm>>) target(%arg8 : memref<16x2048xf32, #tpu.memory_space<vmem>>) target_semaphore(%arg11 : memref<!tpu.dma_semaphore, #tpu.memory_space<semaphore_mem>>)
    %dma_wait3A_47 = arith.constant 0 : i32
    %dma_wait3A_48 = arith.constant 0 : i32
    %dma_wait3A_49 = tpu.memref_slice %arg2[%select_n3A, %dma_wait3A_47, %mul3A_20, %dma_wait3A_48] : memref<8x5x64x2048xf32, #tpu.memory_space<hbm>> -> memref<1x1x16x2048xf32, #tpu.memory_space<hbm>>
    %dma_wait3A_50 = tpu.memref_squeeze %dma_wait3A_49 : memref<1x1x16x2048xf32, #tpu.memory_space<hbm>> -> memref<16x2048xf32, #tpu.memory_space<hbm>>
    %dma_wait3A_51 = arith.constant 0 : i32
    %dma_wait3A_52 = tpu.memref_slice %arg2[%select_n3A, %dma_wait3A_47, %mul3A_20, %dma_wait3A_51] : memref<8x5x64x2048xf32, #tpu.memory_space<hbm>> -> memref<1x1x16x2048xf32, #tpu.memory_space<hbm>>
    %dma_wait3A_53 = tpu.memref_squeeze %dma_wait3A_52 : memref<1x1x16x2048xf32, #tpu.memory_space<hbm>> -> memref<16x2048xf32, #tpu.memory_space<hbm>>
    tpu.wait_dma2 semaphore(%arg9 : memref<!tpu.dma_semaphore, #tpu.memory_space<semaphore_mem>>) src(%dma_wait3A_53 : memref<16x2048xf32, #tpu.memory_space<hbm>>) dst(%arg6 : memref<16x2048xf32, #tpu.memory_space<vmem>>)
    %parallel_loop3A = arith.constant 0 : i32
    %parallel_loop3A_54 = arith.constant 16640 : i32
    %parallel_loop3A_55 = arith.constant 16 : i32
    scf.for %parallel_loop3A_180 = %parallel_loop3A to %parallel_loop3A_54 step %parallel_loop3A_55  : i32 {
      %parallel_loop3A_181 = arith.index_cast %parallel_loop3A_180 : i32 to index
      %parallel_loop3A_182 = tpu.vector_load %arg5[%parallel_loop3A_181] {strides = array<i32>} : memref<16640xi32, #tpu.memory_space<vmem>>, vector<16xi32>,
      %parallel_loop3A_183 = arith.constant 11 : i32
      %parallel_loop3A_184 = vector.broadcast %parallel_loop3A_183 : i32 to vector<16xi32>
      %parallel_loop3A_185 = arith.shrui %parallel_loop3A_182, %parallel_loop3A_184 : vector<16xi32>
      %parallel_loop3A_186 = arith.constant 2047 : i32
      %parallel_loop3A_187 = vector.broadcast %parallel_loop3A_186 : i32 to vector<16xi32>
      %parallel_loop3A_188 = arith.andi %parallel_loop3A_182, %parallel_loop3A_187 : vector<16xi32>
      tpu.vector_store_idx %arg6[%parallel_loop3A_185, %parallel_loop3A_188], %broadcast_in_dim3A_21 : memref<16x2048xf32, #tpu.memory_space<vmem>>[vector<16xi32>, vector<16xi32>], vector<16xf32>,
    } {sc.loop_unroll_factor = 8 : i64, sc.parallel_access}
    %dma_start3A_56 = arith.constant 0 : i32
    %dma_start3A_57 = arith.constant 0 : i32
    %dma_start3A_58 = tpu.memref_slice %arg4[%select_n3A, %dma_start3A_56, %mul3A_20, %dma_start3A_57] : memref<8x5x64x2048xf32, #tpu.memory_space<hbm>> -> memref<1x1x16x2048xf32, #tpu.memory_space<hbm>>
    %dma_start3A_59 = tpu.memref_squeeze %dma_start3A_58 : memref<1x1x16x2048xf32, #tpu.memory_space<hbm>> -> memref<16x2048xf32, #tpu.memory_space<hbm>>
    %dma_start3A_60 = arith.constant 0 : i32
    %dma_start3A_61 = tpu.memref_slice %arg4[%select_n3A, %dma_start3A_56, %mul3A_20, %dma_start3A_60] : memref<8x5x64x2048xf32, #tpu.memory_space<hbm>> -> memref<1x1x16x2048xf32, #tpu.memory_space<hbm>>
    %dma_start3A_62 = tpu.memref_squeeze %dma_start3A_61 : memref<1x1x16x2048xf32, #tpu.memory_space<hbm>> -> memref<16x2048xf32, #tpu.memory_space<hbm>>
    tpu.enqueue_dma source(%arg6 : memref<16x2048xf32, #tpu.memory_space<vmem>>) target(%dma_start3A_62 : memref<16x2048xf32, #tpu.memory_space<hbm>>) target_semaphore(%arg12 : memref<!tpu.dma_semaphore, #tpu.memory_space<semaphore_mem>>)
    %dma_wait3A_63 = arith.constant 0 : i32
    %dma_wait3A_64 = arith.constant 0 : i32
    %dma_wait3A_65 = tpu.memref_slice %arg4[%select_n3A, %dma_wait3A_63, %mul3A_20, %dma_wait3A_64] : memref<8x5x64x2048xf32, #tpu.memory_space<hbm>> -> memref<1x1x16x2048xf32, #tpu.memory_space<hbm>>
    %dma_wait3A_66 = tpu.memref_squeeze %dma_wait3A_65 : memref<1x1x16x2048xf32, #tpu.memory_space<hbm>> -> memref<16x2048xf32, #tpu.memory_space<hbm>>
    %dma_wait3A_67 = arith.constant 0 : i32
    %dma_wait3A_68 = tpu.memref_slice %arg4[%select_n3A, %dma_wait3A_63, %mul3A_20, %dma_wait3A_67] : memref<8x5x64x2048xf32, #tpu.memory_space<hbm>> -> memref<1x1x16x2048xf32, #tpu.memory_space<hbm>>
    %dma_wait3A_69 = tpu.memref_squeeze %dma_wait3A_68 : memref<1x1x16x2048xf32, #tpu.memory_space<hbm>> -> memref<16x2048xf32, #tpu.memory_space<hbm>>
    tpu.wait_dma2 semaphore(%arg12 : memref<!tpu.dma_semaphore, #tpu.memory_space<semaphore_mem>>) src(%arg6 : memref<16x2048xf32, #tpu.memory_space<vmem>>) dst(%dma_wait3A_69 : memref<16x2048xf32, #tpu.memory_space<hbm>>)
    %dma_start3A_70 = arith.constant 3 : i32
    %dma_start3A_71 = arith.constant 0 : i32
    %dma_start3A_72 = tpu.memref_slice %arg2[%select_n3A, %dma_start3A_70, %mul3A_20, %dma_start3A_71] : memref<8x5x64x2048xf32, #tpu.memory_space<hbm>> -> memref<1x1x16x2048xf32, #tpu.memory_space<hbm>>
    %dma_start3A_73 = tpu.memref_squeeze %dma_start3A_72 : memref<1x1x16x2048xf32, #tpu.memory_space<hbm>> -> memref<16x2048xf32, #tpu.memory_space<hbm>>
    %dma_start3A_74 = arith.constant 0 : i32
    %dma_start3A_75 = tpu.memref_slice %arg2[%select_n3A, %dma_start3A_70, %mul3A_20, %dma_start3A_74] : memref<8x5x64x2048xf32, #tpu.memory_space<hbm>> -> memref<1x1x16x2048xf32, #tpu.memory_space<hbm>>
    %dma_start3A_76 = tpu.memref_squeeze %dma_start3A_75 : memref<1x1x16x2048xf32, #tpu.memory_space<hbm>> -> memref<16x2048xf32, #tpu.memory_space<hbm>>
    tpu.enqueue_dma source(%dma_start3A_76 : memref<16x2048xf32, #tpu.memory_space<hbm>>) target(%arg6 : memref<16x2048xf32, #tpu.memory_space<vmem>>) target_semaphore(%arg9 : memref<!tpu.dma_semaphore, #tpu.memory_space<semaphore_mem>>)
    %dma_wait3A_77 = arith.constant 1 : i32
    %dma_wait3A_78 = arith.constant 0 : i32
    %dma_wait3A_79 = tpu.memref_slice %arg2[%select_n3A, %dma_wait3A_77, %mul3A_20, %dma_wait3A_78] : memref<8x5x64x2048xf32, #tpu.memory_space<hbm>> -> memref<1x1x16x2048xf32, #tpu.memory_space<hbm>>
    %dma_wait3A_80 = tpu.memref_squeeze %dma_wait3A_79 : memref<1x1x16x2048xf32, #tpu.memory_space<hbm>> -> memref<16x2048xf32, #tpu.memory_space<hbm>>
    %dma_wait3A_81 = arith.constant 0 : i32
    %dma_wait3A_82 = tpu.memref_slice %arg2[%select_n3A, %dma_wait3A_77, %mul3A_20, %dma_wait3A_81] : memref<8x5x64x2048xf32, #tpu.memory_space<hbm>> -> memref<1x1x16x2048xf32, #tpu.memory_space<hbm>>
    %dma_wait3A_83 = tpu.memref_squeeze %dma_wait3A_82 : memref<1x1x16x2048xf32, #tpu.memory_space<hbm>> -> memref<16x2048xf32, #tpu.memory_space<hbm>>
    tpu.wait_dma2 semaphore(%arg10 : memref<!tpu.dma_semaphore, #tpu.memory_space<semaphore_mem>>) src(%dma_wait3A_83 : memref<16x2048xf32, #tpu.memory_space<hbm>>) dst(%arg7 : memref<16x2048xf32, #tpu.memory_space<vmem>>)
    %parallel_loop3A_84 = arith.constant 0 : i32
    %parallel_loop3A_85 = arith.constant 16640 : i32
    %parallel_loop3A_86 = arith.constant 16 : i32
    scf.for %parallel_loop3A_180 = %parallel_loop3A_84 to %parallel_loop3A_85 step %parallel_loop3A_86  : i32 {
      %parallel_loop3A_181 = arith.index_cast %parallel_loop3A_180 : i32 to index
      %parallel_loop3A_182 = tpu.vector_load %arg5[%parallel_loop3A_181] {strides = array<i32>} : memref<16640xi32, #tpu.memory_space<vmem>>, vector<16xi32>,
      %parallel_loop3A_183 = arith.constant 11 : i32
      %parallel_loop3A_184 = vector.broadcast %parallel_loop3A_183 : i32 to vector<16xi32>
      %parallel_loop3A_185 = arith.shrui %parallel_loop3A_182, %parallel_loop3A_184 : vector<16xi32>
      %parallel_loop3A_186 = arith.constant 2047 : i32
      %parallel_loop3A_187 = vector.broadcast %parallel_loop3A_186 : i32 to vector<16xi32>
      %parallel_loop3A_188 = arith.andi %parallel_loop3A_182, %parallel_loop3A_187 : vector<16xi32>
      tpu.vector_store_idx %arg7[%parallel_loop3A_185, %parallel_loop3A_188], %broadcast_in_dim3A_21 : memref<16x2048xf32, #tpu.memory_space<vmem>>[vector<16xi32>, vector<16xi32>], vector<16xf32>,
    } {sc.loop_unroll_factor = 8 : i64, sc.parallel_access}
    %dma_start3A_87 = arith.constant 1 : i32
    %dma_start3A_88 = arith.constant 0 : i32
    %dma_start3A_89 = tpu.memref_slice %arg4[%select_n3A, %dma_start3A_87, %mul3A_20, %dma_start3A_88] : memref<8x5x64x2048xf32, #tpu.memory_space<hbm>> -> memref<1x1x16x2048xf32, #tpu.memory_space<hbm>>
    %dma_start3A_90 = tpu.memref_squeeze %dma_start3A_89 : memref<1x1x16x2048xf32, #tpu.memory_space<hbm>> -> memref<16x2048xf32, #tpu.memory_space<hbm>>
    %dma_start3A_91 = arith.constant 0 : i32
    %dma_start3A_92 = tpu.memref_slice %arg4[%select_n3A, %dma_start3A_87, %mul3A_20, %dma_start3A_91] : memref<8x5x64x2048xf32, #tpu.memory_space<hbm>> -> memref<1x1x16x2048xf32, #tpu.memory_space<hbm>>
    %dma_start3A_93 = tpu.memref_squeeze %dma_start3A_92 : memref<1x1x16x2048xf32, #tpu.memory_space<hbm>> -> memref<16x2048xf32, #tpu.memory_space<hbm>>
    tpu.enqueue_dma source(%arg7 : memref<16x2048xf32, #tpu.memory_space<vmem>>) target(%dma_start3A_93 : memref<16x2048xf32, #tpu.memory_space<hbm>>) target_semaphore(%arg13 : memref<!tpu.dma_semaphore, #tpu.memory_space<semaphore_mem>>)
    %dma_wait3A_94 = arith.constant 1 : i32
    %dma_wait3A_95 = arith.constant 0 : i32
    %dma_wait3A_96 = tpu.memref_slice %arg4[%select_n3A, %dma_wait3A_94, %mul3A_20, %dma_wait3A_95] : memref<8x5x64x2048xf32, #tpu.memory_space<hbm>> -> memref<1x1x16x2048xf32, #tpu.memory_space<hbm>>
    %dma_wait3A_97 = tpu.memref_squeeze %dma_wait3A_96 : memref<1x1x16x2048xf32, #tpu.memory_space<hbm>> -> memref<16x2048xf32, #tpu.memory_space<hbm>>
    %dma_wait3A_98 = arith.constant 0 : i32
    %dma_wait3A_99 = tpu.memref_slice %arg4[%select_n3A, %dma_wait3A_94, %mul3A_20, %dma_wait3A_98] : memref<8x5x64x2048xf32, #tpu.memory_space<hbm>> -> memref<1x1x16x2048xf32, #tpu.memory_space<hbm>>
    %dma_wait3A_100 = tpu.memref_squeeze %dma_wait3A_99 : memref<1x1x16x2048xf32, #tpu.memory_space<hbm>> -> memref<16x2048xf32, #tpu.memory_space<hbm>>
    tpu.wait_dma2 semaphore(%arg13 : memref<!tpu.dma_semaphore, #tpu.memory_space<semaphore_mem>>) src(%arg7 : memref<16x2048xf32, #tpu.memory_space<vmem>>) dst(%dma_wait3A_100 : memref<16x2048xf32, #tpu.memory_space<hbm>>)
    %dma_start3A_101 = arith.constant 4 : i32
    %dma_start3A_102 = arith.constant 0 : i32
    %dma_start3A_103 = tpu.memref_slice %arg2[%select_n3A, %dma_start3A_101, %mul3A_20, %dma_start3A_102] : memref<8x5x64x2048xf32, #tpu.memory_space<hbm>> -> memref<1x1x16x2048xf32, #tpu.memory_space<hbm>>
    %dma_start3A_104 = tpu.memref_squeeze %dma_start3A_103 : memref<1x1x16x2048xf32, #tpu.memory_space<hbm>> -> memref<16x2048xf32, #tpu.memory_space<hbm>>
    %dma_start3A_105 = arith.constant 0 : i32
    %dma_start3A_106 = tpu.memref_slice %arg2[%select_n3A, %dma_start3A_101, %mul3A_20, %dma_start3A_105] : memref<8x5x64x2048xf32, #tpu.memory_space<hbm>> -> memref<1x1x16x2048xf32, #tpu.memory_space<hbm>>
    %dma_start3A_107 = tpu.memref_squeeze %dma_start3A_106 : memref<1x1x16x2048xf32, #tpu.memory_space<hbm>> -> memref<16x2048xf32, #tpu.memory_space<hbm>>
    tpu.enqueue_dma source(%dma_start3A_107 : memref<16x2048xf32, #tpu.memory_space<hbm>>) target(%arg7 : memref<16x2048xf32, #tpu.memory_space<vmem>>) target_semaphore(%arg10 : memref<!tpu.dma_semaphore, #tpu.memory_space<semaphore_mem>>)
    %dma_wait3A_108 = arith.constant 2 : i32
    %dma_wait3A_109 = arith.constant 0 : i32
    %dma_wait3A_110 = tpu.memref_slice %arg2[%select_n3A, %dma_wait3A_108, %mul3A_20, %dma_wait3A_109] : memref<8x5x64x2048xf32, #tpu.memory_space<hbm>> -> memref<1x1x16x2048xf32, #tpu.memory_space<hbm>>
    %dma_wait3A_111 = tpu.memref_squeeze %dma_wait3A_110 : memref<1x1x16x2048xf32, #tpu.memory_space<hbm>> -> memref<16x2048xf32, #tpu.memory_space<hbm>>
    %dma_wait3A_112 = arith.constant 0 : i32
    %dma_wait3A_113 = tpu.memref_slice %arg2[%select_n3A, %dma_wait3A_108, %mul3A_20, %dma_wait3A_112] : memref<8x5x64x2048xf32, #tpu.memory_space<hbm>> -> memref<1x1x16x2048xf32, #tpu.memory_space<hbm>>
    %dma_wait3A_114 = tpu.memref_squeeze %dma_wait3A_113 : memref<1x1x16x2048xf32, #tpu.memory_space<hbm>> -> memref<16x2048xf32, #tpu.memory_space<hbm>>
    tpu.wait_dma2 semaphore(%arg11 : memref<!tpu.dma_semaphore, #tpu.memory_space<semaphore_mem>>) src(%dma_wait3A_114 : memref<16x2048xf32, #tpu.memory_space<hbm>>) dst(%arg8 : memref<16x2048xf32, #tpu.memory_space<vmem>>)
    %parallel_loop3A_115 = arith.constant 0 : i32
    %parallel_loop3A_116 = arith.constant 16640 : i32
    %parallel_loop3A_117 = arith.constant 16 : i32
    scf.for %parallel_loop3A_180 = %parallel_loop3A_115 to %parallel_loop3A_116 step %parallel_loop3A_117  : i32 {
      %parallel_loop3A_181 = arith.index_cast %parallel_loop3A_180 : i32 to index
      %parallel_loop3A_182 = tpu.vector_load %arg5[%parallel_loop3A_181] {strides = array<i32>} : memref<16640xi32, #tpu.memory_space<vmem>>, vector<16xi32>,
      %parallel_loop3A_183 = arith.constant 11 : i32
      %parallel_loop3A_184 = vector.broadcast %parallel_loop3A_183 : i32 to vector<16xi32>
      %parallel_loop3A_185 = arith.shrui %parallel_loop3A_182, %parallel_loop3A_184 : vector<16xi32>
      %parallel_loop3A_186 = arith.constant 2047 : i32
      %parallel_loop3A_187 = vector.broadcast %parallel_loop3A_186 : i32 to vector<16xi32>
      %parallel_loop3A_188 = arith.andi %parallel_loop3A_182, %parallel_loop3A_187 : vector<16xi32>
      tpu.vector_store_idx %arg8[%parallel_loop3A_185, %parallel_loop3A_188], %broadcast_in_dim3A_21 : memref<16x2048xf32, #tpu.memory_space<vmem>>[vector<16xi32>, vector<16xi32>], vector<16xf32>,
    } {sc.loop_unroll_factor = 8 : i64, sc.parallel_access}
    %dma_start3A_118 = arith.constant 2 : i32
    %dma_start3A_119 = arith.constant 0 : i32
    %dma_start3A_120 = tpu.memref_slice %arg4[%select_n3A, %dma_start3A_118, %mul3A_20, %dma_start3A_119] : memref<8x5x64x2048xf32, #tpu.memory_space<hbm>> -> memref<1x1x16x2048xf32, #tpu.memory_space<hbm>>
    %dma_start3A_121 = tpu.memref_squeeze %dma_start3A_120 : memref<1x1x16x2048xf32, #tpu.memory_space<hbm>> -> memref<16x2048xf32, #tpu.memory_space<hbm>>
    %dma_start3A_122 = arith.constant 0 : i32
    %dma_start3A_123 = tpu.memref_slice %arg4[%select_n3A, %dma_start3A_118, %mul3A_20, %dma_start3A_122] : memref<8x5x64x2048xf32, #tpu.memory_space<hbm>> -> memref<1x1x16x2048xf32, #tpu.memory_space<hbm>>
    %dma_start3A_124 = tpu.memref_squeeze %dma_start3A_123 : memref<1x1x16x2048xf32, #tpu.memory_space<hbm>> -> memref<16x2048xf32, #tpu.memory_space<hbm>>
    tpu.enqueue_dma source(%arg8 : memref<16x2048xf32, #tpu.memory_space<vmem>>) target(%dma_start3A_124 : memref<16x2048xf32, #tpu.memory_space<hbm>>) target_semaphore(%arg14 : memref<!tpu.dma_semaphore, #tpu.memory_space<semaphore_mem>>)
    %dma_wait3A_125 = arith.constant 3 : i32
    %dma_wait3A_126 = arith.constant 0 : i32
    %dma_wait3A_127 = tpu.memref_slice %arg2[%select_n3A, %dma_wait3A_125, %mul3A_20, %dma_wait3A_126] : memref<8x5x64x2048xf32, #tpu.memory_space<hbm>> -> memref<1x1x16x2048xf32, #tpu.memory_space<hbm>>
    %dma_wait3A_128 = tpu.memref_squeeze %dma_wait3A_127 : memref<1x1x16x2048xf32, #tpu.memory_space<hbm>> -> memref<16x2048xf32, #tpu.memory_space<hbm>>
    %dma_wait3A_129 = arith.constant 0 : i32
    %dma_wait3A_130 = tpu.memref_slice %arg2[%select_n3A, %dma_wait3A_125, %mul3A_20, %dma_wait3A_129] : memref<8x5x64x2048xf32, #tpu.memory_space<hbm>> -> memref<1x1x16x2048xf32, #tpu.memory_space<hbm>>
    %dma_wait3A_131 = tpu.memref_squeeze %dma_wait3A_130 : memref<1x1x16x2048xf32, #tpu.memory_space<hbm>> -> memref<16x2048xf32, #tpu.memory_space<hbm>>
    tpu.wait_dma2 semaphore(%arg9 : memref<!tpu.dma_semaphore, #tpu.memory_space<semaphore_mem>>) src(%dma_wait3A_131 : memref<16x2048xf32, #tpu.memory_space<hbm>>) dst(%arg6 : memref<16x2048xf32, #tpu.memory_space<vmem>>)
    %parallel_loop3A_132 = arith.constant 0 : i32
    %parallel_loop3A_133 = arith.constant 16640 : i32
    %parallel_loop3A_134 = arith.constant 16 : i32
    scf.for %parallel_loop3A_180 = %parallel_loop3A_132 to %parallel_loop3A_133 step %parallel_loop3A_134  : i32 {
      %parallel_loop3A_181 = arith.index_cast %parallel_loop3A_180 : i32 to index
      %parallel_loop3A_182 = tpu.vector_load %arg5[%parallel_loop3A_181] {strides = array<i32>} : memref<16640xi32, #tpu.memory_space<vmem>>, vector<16xi32>,
      %parallel_loop3A_183 = arith.constant 11 : i32
      %parallel_loop3A_184 = vector.broadcast %parallel_loop3A_183 : i32 to vector<16xi32>
      %parallel_loop3A_185 = arith.shrui %parallel_loop3A_182, %parallel_loop3A_184 : vector<16xi32>
      %parallel_loop3A_186 = arith.constant 2047 : i32
      %parallel_loop3A_187 = vector.broadcast %parallel_loop3A_186 : i32 to vector<16xi32>
      %parallel_loop3A_188 = arith.andi %parallel_loop3A_182, %parallel_loop3A_187 : vector<16xi32>
      tpu.vector_store_idx %arg6[%parallel_loop3A_185, %parallel_loop3A_188], %broadcast_in_dim3A_21 : memref<16x2048xf32, #tpu.memory_space<vmem>>[vector<16xi32>, vector<16xi32>], vector<16xf32>,
    } {sc.loop_unroll_factor = 8 : i64, sc.parallel_access}
    %dma_start3A_135 = arith.constant 3 : i32
    %dma_start3A_136 = arith.constant 0 : i32
    %dma_start3A_137 = tpu.memref_slice %arg4[%select_n3A, %dma_start3A_135, %mul3A_20, %dma_start3A_136] : memref<8x5x64x2048xf32, #tpu.memory_space<hbm>> -> memref<1x1x16x2048xf32, #tpu.memory_space<hbm>>
    %dma_start3A_138 = tpu.memref_squeeze %dma_start3A_137 : memref<1x1x16x2048xf32, #tpu.memory_space<hbm>> -> memref<16x2048xf32, #tpu.memory_space<hbm>>
    %dma_start3A_139 = arith.constant 0 : i32
    %dma_start3A_140 = tpu.memref_slice %arg4[%select_n3A, %dma_start3A_135, %mul3A_20, %dma_start3A_139] : memref<8x5x64x2048xf32, #tpu.memory_space<hbm>> -> memref<1x1x16x2048xf32, #tpu.memory_space<hbm>>
    %dma_start3A_141 = tpu.memref_squeeze %dma_start3A_140 : memref<1x1x16x2048xf32, #tpu.memory_space<hbm>> -> memref<16x2048xf32, #tpu.memory_space<hbm>>
    tpu.enqueue_dma source(%arg6 : memref<16x2048xf32, #tpu.memory_space<vmem>>) target(%dma_start3A_141 : memref<16x2048xf32, #tpu.memory_space<hbm>>) target_semaphore(%arg12 : memref<!tpu.dma_semaphore, #tpu.memory_space<semaphore_mem>>)
    %dma_wait3A_142 = arith.constant 4 : i32
    %dma_wait3A_143 = arith.constant 0 : i32
    %dma_wait3A_144 = tpu.memref_slice %arg2[%select_n3A, %dma_wait3A_142, %mul3A_20, %dma_wait3A_143] : memref<8x5x64x2048xf32, #tpu.memory_space<hbm>> -> memref<1x1x16x2048xf32, #tpu.memory_space<hbm>>
    %dma_wait3A_145 = tpu.memref_squeeze %dma_wait3A_144 : memref<1x1x16x2048xf32, #tpu.memory_space<hbm>> -> memref<16x2048xf32, #tpu.memory_space<hbm>>
    %dma_wait3A_146 = arith.constant 0 : i32
    %dma_wait3A_147 = tpu.memref_slice %arg2[%select_n3A, %dma_wait3A_142, %mul3A_20, %dma_wait3A_146] : memref<8x5x64x2048xf32, #tpu.memory_space<hbm>> -> memref<1x1x16x2048xf32, #tpu.memory_space<hbm>>
    %dma_wait3A_148 = tpu.memref_squeeze %dma_wait3A_147 : memref<1x1x16x2048xf32, #tpu.memory_space<hbm>> -> memref<16x2048xf32, #tpu.memory_space<hbm>>
    tpu.wait_dma2 semaphore(%arg10 : memref<!tpu.dma_semaphore, #tpu.memory_space<semaphore_mem>>) src(%dma_wait3A_148 : memref<16x2048xf32, #tpu.memory_space<hbm>>) dst(%arg7 : memref<16x2048xf32, #tpu.memory_space<vmem>>)
    %parallel_loop3A_149 = arith.constant 0 : i32
    %parallel_loop3A_150 = arith.constant 16640 : i32
    %parallel_loop3A_151 = arith.constant 16 : i32
    scf.for %parallel_loop3A_180 = %parallel_loop3A_149 to %parallel_loop3A_150 step %parallel_loop3A_151  : i32 {
      %parallel_loop3A_181 = arith.index_cast %parallel_loop3A_180 : i32 to index
      %parallel_loop3A_182 = tpu.vector_load %arg5[%parallel_loop3A_181] {strides = array<i32>} : memref<16640xi32, #tpu.memory_space<vmem>>, vector<16xi32>,
      %parallel_loop3A_183 = arith.constant 11 : i32
      %parallel_loop3A_184 = vector.broadcast %parallel_loop3A_183 : i32 to vector<16xi32>
      %parallel_loop3A_185 = arith.shrui %parallel_loop3A_182, %parallel_loop3A_184 : vector<16xi32>
      %parallel_loop3A_186 = arith.constant 2047 : i32
      %parallel_loop3A_187 = vector.broadcast %parallel_loop3A_186 : i32 to vector<16xi32>
      %parallel_loop3A_188 = arith.andi %parallel_loop3A_182, %parallel_loop3A_187 : vector<16xi32>
      tpu.vector_store_idx %arg7[%parallel_loop3A_185, %parallel_loop3A_188], %broadcast_in_dim3A_21 : memref<16x2048xf32, #tpu.memory_space<vmem>>[vector<16xi32>, vector<16xi32>], vector<16xf32>,
    } {sc.loop_unroll_factor = 8 : i64, sc.parallel_access}
    %dma_start3A_152 = arith.constant 4 : i32
    %dma_start3A_153 = arith.constant 0 : i32
    %dma_start3A_154 = tpu.memref_slice %arg4[%select_n3A, %dma_start3A_152, %mul3A_20, %dma_start3A_153] : memref<8x5x64x2048xf32, #tpu.memory_space<hbm>> -> memref<1x1x16x2048xf32, #tpu.memory_space<hbm>>
    %dma_start3A_155 = tpu.memref_squeeze %dma_start3A_154 : memref<1x1x16x2048xf32, #tpu.memory_space<hbm>> -> memref<16x2048xf32, #tpu.memory_space<hbm>>
    %dma_start3A_156 = arith.constant 0 : i32
    %dma_start3A_157 = tpu.memref_slice %arg4[%select_n3A, %dma_start3A_152, %mul3A_20, %dma_start3A_156] : memref<8x5x64x2048xf32, #tpu.memory_space<hbm>> -> memref<1x1x16x2048xf32, #tpu.memory_space<hbm>>
    %dma_start3A_158 = tpu.memref_squeeze %dma_start3A_157 : memref<1x1x16x2048xf32, #tpu.memory_space<hbm>> -> memref<16x2048xf32, #tpu.memory_space<hbm>>
    tpu.enqueue_dma source(%arg7 : memref<16x2048xf32, #tpu.memory_space<vmem>>) target(%dma_start3A_158 : memref<16x2048xf32, #tpu.memory_space<hbm>>) target_semaphore(%arg13 : memref<!tpu.dma_semaphore, #tpu.memory_space<semaphore_mem>>)
    %dma_wait3A_159 = arith.constant 3 : i32
    %dma_wait3A_160 = arith.constant 0 : i32
    %dma_wait3A_161 = tpu.memref_slice %arg4[%select_n3A, %dma_wait3A_159, %mul3A_20, %dma_wait3A_160] : memref<8x5x64x2048xf32, #tpu.memory_space<hbm>> -> memref<1x1x16x2048xf32, #tpu.memory_space<hbm>>
    %dma_wait3A_162 = tpu.memref_squeeze %dma_wait3A_161 : memref<1x1x16x2048xf32, #tpu.memory_space<hbm>> -> memref<16x2048xf32, #tpu.memory_space<hbm>>
    %dma_wait3A_163 = arith.constant 0 : i32
    %dma_wait3A_164 = tpu.memref_slice %arg4[%select_n3A, %dma_wait3A_159, %mul3A_20, %dma_wait3A_163] : memref<8x5x64x2048xf32, #tpu.memory_space<hbm>> -> memref<1x1x16x2048xf32, #tpu.memory_space<hbm>>
    %dma_wait3A_165 = tpu.memref_squeeze %dma_wait3A_164 : memref<1x1x16x2048xf32, #tpu.memory_space<hbm>> -> memref<16x2048xf32, #tpu.memory_space<hbm>>
    tpu.wait_dma2 semaphore(%arg12 : memref<!tpu.dma_semaphore, #tpu.memory_space<semaphore_mem>>) src(%arg6 : memref<16x2048xf32, #tpu.memory_space<vmem>>) dst(%dma_wait3A_165 : memref<16x2048xf32, #tpu.memory_space<hbm>>)
    %dma_wait3A_166 = arith.constant 4 : i32
    %dma_wait3A_167 = arith.constant 0 : i32
    %dma_wait3A_168 = tpu.memref_slice %arg4[%select_n3A, %dma_wait3A_166, %mul3A_20, %dma_wait3A_167] : memref<8x5x64x2048xf32, #tpu.memory_space<hbm>> -> memref<1x1x16x2048xf32, #tpu.memory_space<hbm>>
    %dma_wait3A_169 = tpu.memref_squeeze %dma_wait3A_168 : memref<1x1x16x2048xf32, #tpu.memory_space<hbm>> -> memref<16x2048xf32, #tpu.memory_space<hbm>>
    %dma_wait3A_170 = arith.constant 0 : i32
    %dma_wait3A_171 = tpu.memref_slice %arg4[%select_n3A, %dma_wait3A_166, %mul3A_20, %dma_wait3A_170] : memref<8x5x64x2048xf32, #tpu.memory_space<hbm>> -> memref<1x1x16x2048xf32, #tpu.memory_space<hbm>>
    %dma_wait3A_172 = tpu.memref_squeeze %dma_wait3A_171 : memref<1x1x16x2048xf32, #tpu.memory_space<hbm>> -> memref<16x2048xf32, #tpu.memory_space<hbm>>
    tpu.wait_dma2 semaphore(%arg13 : memref<!tpu.dma_semaphore, #tpu.memory_space<semaphore_mem>>) src(%arg7 : memref<16x2048xf32, #tpu.memory_space<vmem>>) dst(%dma_wait3A_172 : memref<16x2048xf32, #tpu.memory_space<hbm>>)
    %dma_wait3A_173 = arith.constant 2 : i32
    %dma_wait3A_174 = arith.constant 0 : i32
    %dma_wait3A_175 = tpu.memref_slice %arg4[%select_n3A, %dma_wait3A_173, %mul3A_20, %dma_wait3A_174] : memref<8x5x64x2048xf32, #tpu.memory_space<hbm>> -> memref<1x1x16x2048xf32, #tpu.memory_space<hbm>>
    %dma_wait3A_176 = tpu.memref_squeeze %dma_wait3A_175 : memref<1x1x16x2048xf32, #tpu.memory_space<hbm>> -> memref<16x2048xf32, #tpu.memory_space<hbm>>
    %dma_wait3A_177 = arith.constant 0 : i32
    %dma_wait3A_178 = tpu.memref_slice %arg4[%select_n3A, %dma_wait3A_173, %mul3A_20, %dma_wait3A_177] : memref<8x5x64x2048xf32, #tpu.memory_space<hbm>> -> memref<1x1x16x2048xf32, #tpu.memory_space<hbm>>
    %dma_wait3A_179 = tpu.memref_squeeze %dma_wait3A_178 : memref<1x1x16x2048xf32, #tpu.memory_space<hbm>> -> memref<16x2048xf32, #tpu.memory_space<hbm>>
    tpu.wait_dma2 semaphore(%arg14 : memref<!tpu.dma_semaphore, #tpu.memory_space<semaphore_mem>>) src(%arg8 : memref<16x2048xf32, #tpu.memory_space<vmem>>) dst(%dma_wait3A_179 : memref<16x2048xf32, #tpu.memory_space<hbm>>)
    return
  }
}

</mosaic_0001>

<sc_bundles>
// kernel: kernel.3.cloned.1.call-start
scs
__scs_entry_jumppad:
0x0: {  	(pc) =	sbr.rel $0x88, $3  }
0x1: {  	(tag) =	ssettag $0x0;
	lr =	simm.s32 $0x1  }
0x2: {  	[smem:$0x3FA0] =	sst lr;
	_ =	strace $0xD0000000  }
0x3: {  	_ = 	snop  }
0x4: {  	_ = 	snop  }
0x5: {  	_ = 	snop  }
0x6: {  	_ = 	snop  }
0x7: {  	_ = 	snop  }
__scs_overlays_trampoline_lowered:
0x8: {  	[smem:$0x3FAF] =	sst s0  }
0x9: {  	[smem:$0x3FB0] =	sst s1  }
0xa: {  	[smem:$0x3FB1] =	sst s2  }
0xb: {  	[smem:$0x3FB2] =	sst s3  }
0xc: {  	[smem:$0x3FB3] =	sst s4  }
0xd: {  	[smem:$0x3FB4] =	sst s5  }
0xe: {  	[smem:$0x3FB5] =	sst s6  }
0xf: {  	[smem:$0x3FB6] =	sst s7  }
0x10: {  	[smem:$0x3FB7] =	sst s8  }
0x11: {  	[smem:$0x3FB8] =	sst s9;
	s0 =	simm.s32 @!p0 $0x0  }
0x12: {  	s1 =	sld [smem:$0x3F9E];
	s0 =	simm.s32 @p0 $0x1  }
0x13: {  	[smem:$0x3FB9] =	sst s0;
	s0 =	simm.s32 @!p1 $0x0  }
0x14: {  	s2 =	sld [smem:$0x3F9D];
	s0 =	simm.s32 @p1 $0x1  }
0x15: {  	[smem:$0x3FBA] =	sst s0;
	s0 =	simm.s32 @!p2 $0x0  }
0x16: {  	s3 =	sld [smem:$0x3FDB];
	s0 =	simm.s32 @p2 $0x1  }
0x17: {  	s4 =	simm.s32 $0x1BF5;
	[smem:$0x3FBC] =	sst s0  }
0x18: {  	s0 =	sld [smem:$0x3F9F];
	_ =	swait.ge [sflag:s4], $0x0  }
0x19: {  	s7 =	sld [smem:$0x3FA0]  }
0x1a: {  	s8 =	sadd.s32 $0xFFFFE003, lr  }
0x1b: {  	s9 =	sadd.s32 $0xFFFFFEF7, lr;
	s5 =	simm.s32 $0xFFFFFFFF;
	p2 =	slt.u32 s8, $0xFFFFF086  }
0x1c: {  	p1 =	slt.u32 s9, $0xF7A;
	s5 =	simm.s32 @!p2 $0x0  }
0x1d: {  	s5 =	simm.s32 @p1 $0x1;
	p0 =	seq.s32 s7, s2  }
0x1e: {  	s7 =	smul.u32 @!p0 $0xF7A, s2;
	p2 =	seq.s32 @!p0 s5, $0x0  }
0x1f: {  	s9 =	smul.u32 $0xF7A, s1;
	s8 =	simm.s32 @!p0 $0x1BF5;
	p2 =	por !p2, p0  }
0x20: {  	[sflag:s8] =	ssyncset.s32 @!p0 $0xFFFFF086;
	s6 =	sadd.s32 @!p0 s3, s7;
	s7 =	simm.s32 @!p0 $0x108  }
0x21: {  	s3 =	sadd.s32 s3, s9;
	s6 =	sadd.s32 @!p0 $0x88, s6;
	s7 =	simm.s32 @p2 $0x1082  }
0x22: {  	[simem:s7], [sflag:s8] =	dma.local @!p0 [hbm:s6], $0xF7A  }
0x23: {  	s9 =	sor.u32 $0xD0000000, s2;
	s6 =	simm.s32 $0x108;
	_ =	swait.ge @!p0 [sflag:s8], $0x0  }
0x24: {  	s3 =	sadd.s32 $0x88, s3;
	s6 =	simm.s32 @!p1 $0x1082;
	[sflag:s4] =	ssyncset.s32 $0xFFFFF086  }
0x25: {  	[simem:s6], [sflag:s4] =	dma.local [hbm:s3], $0xF7A  }
0x26: {  	[smem:$0x3FA0] =	sst s1;
	(tag) =	ssettag s2;
	_ =	strace s9  }
0x27: {  	s1 =	sld [smem:$0x3FB0]  }
0x28: {  	s2 =	sld [smem:$0x3FB1]  }
0x29: {  	s4 =	sld [smem:$0x3FB3]  }
0x2a: {  	p0 =	seq.s32 s5, $0x0;
	s5 =	sld [smem:$0x3FB4]  }
0x2b: {  	s6 =	sld [smem:$0x3FB5]  }
0x2c: {  	s7 =	sld [smem:$0x3FB6]  }
0x2d: {  	s3 =	simm.s32 $0x108;
	s8 =	sld [smem:$0x3FB7]  }
0x2e: {  	s3 =	simm.s32 @!p0 $0x1082;
	s9 =	sld [smem:$0x3FB8]  }
0x2f: {  	lr =	sadd.s32 s0, s3;
	s0 =	sld [smem:$0x3FAF]  }
0x30: {  	s3 =	sld [smem:$0x3FB2]  }
0x31: {  	[smem:$0x3FBB] =	sst s10  }
0x32: {  	s10 =	sld [smem:$0x3FB9];
	_ =	sdelay $0x3  }
0x33: {  	p0 =	seq.s32 s10, $0x1;
	s10 =	sld [smem:$0x3FBB];
	_ =	sdelay $0x3  }
0x34: {  	[smem:$0x3FBB] =	sst s10  }
0x35: {  	s10 =	sld [smem:$0x3FBA];
	_ =	sdelay $0x3  }
0x36: {  	p1 =	seq.s32 s10, $0x1;
	s10 =	sld [smem:$0x3FBB];
	_ =	sdelay $0x3  }
0x37: {  	[smem:$0x3FBB] =	sst s10  }
0x38: {  	s10 =	sld [smem:$0x3FBC]  }
0x39: {  	_ = 	snop;
	(pc) =	sbr.ind lr, $3  }
0x3a: {  	_ = 	snop  }
0x3b: {  	_ = 	snop  }
0x3c: {  	p2 =	seq.s32 s10, $0x1;
	s10 =	sld [smem:$0x3FBB]  }
0x3d: {  	_ =	shalt  }
0x3e: {  	_ =	shalt  }
0x3f: {  	_ =	shalt  }
0x40: {  	_ =	shalt  }
0x41: {  	_ =	shalt  }
0x42: {  	_ =	shalt  }
0x43: {  	_ =	shalt  }
0x44: {  	_ =	shalt  }
0x45: {  	_ =	shalt  }
0x46: {  	_ =	shalt  }
0x47: {  	_ =	shalt  }
0x48: {  	_ =	shalt  }
0x49: {  	_ =	shalt  }
0x4a: {  	_ =	shalt  }
0x4b: {  	_ =	shalt  }
0x4c: {  	_ =	shalt  }
0x4d: {  	_ =	shalt  }
0x4e: {  	_ =	shalt  }
0x4f: {  	_ =	shalt  }
0x50: {  	_ =	shalt  }
0x51: {  	_ =	shalt  }
0x52: {  	_ =	shalt  }
0x53: {  	_ =	shalt  }
0x54: {  	_ =	shalt  }
0x55: {  	_ =	shalt  }
0x56: {  	_ =	shalt  }
0x57: {  	_ =	shalt  }
0x58: {  	_ =	shalt  }
0x59: {  	_ =	shalt  }
0x5a: {  	_ =	shalt  }
0x5b: {  	_ =	shalt  }
0x5c: {  	_ =	shalt  }
0x5d: {  	_ =	shalt  }
0x5e: {  	_ =	shalt  }
0x5f: {  	_ =	shalt  }
0x60: {  	_ =	shalt  }
0x61: {  	_ =	shalt  }
0x62: {  	_ =	shalt  }
0x63: {  	_ =	shalt  }
0x64: {  	_ =	shalt  }
0x65: {  	_ =	shalt  }
0x66: {  	_ =	shalt  }
0x67: {  	_ =	shalt  }
0x68: {  	_ =	shalt  }
0x69: {  	_ =	shalt  }
0x6a: {  	_ =	shalt  }
0x6b: {  	_ =	shalt  }
0x6c: {  	_ =	shalt  }
0x6d: {  	_ =	shalt  }
0x6e: {  	_ =	shalt  }
0x6f: {  	_ =	shalt  }
0x70: {  	_ =	shalt  }
0x71: {  	_ =	shalt  }
0x72: {  	_ =	shalt  }
0x73: {  	_ =	shalt  }
0x74: {  	_ =	shalt  }
0x75: {  	_ =	shalt  }
0x76: {  	_ =	shalt  }
0x77: {  	_ =	shalt  }
0x78: {  	_ =	shalt  }
0x79: {  	_ =	shalt  }
0x7a: {  	_ =	shalt  }
0x7b: {  	_ =	shalt  }
0x7c: {  	_ =	shalt  }
0x7d: {  	_ =	shalt  }
0x7e: {  	_ =	shalt  }
0x7f: {  	_ =	shalt  }
0x80: {  	_ =	shalt  }
0x81: {  	_ =	shalt  }
0x82: {  	_ =	shalt  }
0x83: {  	_ =	shalt  }
0x84: {  	_ =	shalt  }
0x85: {  	_ =	shalt  }
0x86: {  	_ =	shalt  }
0x87: {  	_ =	shalt  }
.Lfunc_end0:
.L_simem_size_0:
called_computation_lowered:
.L_overlay_start_0:
0x88: {  	s2 =	sld [smem:$0x3FD9]  }
0x89: {  	s3 =	sld [smem:$0x3FFE];
	_ =	sdelay $0x1  }
0x8a: {  	s1 =	srdreg.scid  }
0x8b: {  	s0 =	sand.u32 $0x1, s1  }
0x8c: {  	s17 =	sshll.u32 s0, $0xA;
	s2 =	sadd.s32 s3, s2  }
0x8d: {  	s2 =	sadd.s32 s2, s17  }
0x8e: {  	[smem:$0x3FC7] =	sst s2  }
0x8f: {  	_ = 	snop  }
0x90: {  	s2 =	sld [smem:$0x3FC9]  }
0x91: {  	s18 =	sld [smem:$0x3FD0];
	(tm) =	ssettm $0x1  }
0x92: {  	s4 =	sld [smem:$0x3FFB];
	_ =	sdelay $0x3  }
0x93: {  	_ =	strace s4  }
0x94: {  	s4 =	sld [smem:$0x3FFC];
	_ =	sdelay $0x3  }
0x95: {  	_ =	strace s4  }
0x96: {  	s4 =	sld [smem:$0x3FFD];
	_ =	sdelay $0x3  }
0x97: {  	_ =	strace s4  }
0x98: {  	_ =	strace $0x8FFFFFFF  }
0x99: {  	s19 =	sld [smem:$0x3FDB];
	_ =	sdelay $0x1  }
0x9a: {  	s5 =	simm.s32 $_scs_section_size  }
0x9b: {  	s6 =	simm.s32 $_size__tile_overlayer_lowered;
	s7 =	simm.s32 $_tile_overlayer_lowered  }
0x9c: {  	s22 =	simm.s32 $0x1BFF;
	s21 =	sshll.u32 s7, $0x1;
	s4 =	sadd.s32 s5, s19  }
0x9d: {  	s8 =	simm.s32 $0x0;
	s20 =	sshll.u32 s6, $0x1;
	s6 =	sadd.s32 s21, s4  }
0x9e: {  	[timem:s8], [sflag:s22] =	dma.local [hbm:s6], s20  }
0x9f: {  	_ =	swait.ge [sflag:s22], s20  }
0xa0: {  	s5 =	ssub.s32 $0x0, s20;
	[sflag:s22] =	ssyncset.done $0x0  }
0xa1: {  	[sflag:s22] =	ssyncadd.s32 s5;
	_ =	sdelay $0x1  }
0xa2: {  	s23 =	simm.s32 $0x1B8B  }
0xa3: {  	_ =	swait.ge [sflag:s23], $0x1  }
0xa4: {  	[sflag:s23] =	ssyncset.done $0x0  }
0xa5: {  	s25 =	simm.s32 $0x1B8E;
	s24 =	sld [smem:$0x3FFE];
	[sflag:s23] =	ssyncadd.s32 $0xFFFFFFFF  }
0xa6: {  	s26 =	simm.s32 $execute0_lowered;
	[smem:$0x3FD2] =	sst s25  }
0xa7: {  	s6 =	sshll.u32 s26, $0x1;
	_ =	strace $0x80000046;
	[dreg:$0x1] =	wrdreg $0xFFFFFFFF  }
0xa8: {  	s28 =	simm.s32 $_size_execute0_lowered;
	s4 =	sadd.s32 s4, s6;
	[dreg:$0x0] =	wrdreg $0x0  }
0xa9: {  	s6 =	sshll.u32 s28, $0x1;
	[dreg:$0x2] =	wrdreg s4  }
0xaa: {  	[dreg:$0x3] =	wrdreg s6  }
0xab: {  	[dreg:$0x4] =	wrdreg $0xC0  }
0xac: {  	_ =	task [dreg:s8], $0x5FFFF  }
0xad: {  	[dreg:$0x1] =	wrdreg $0xFFFFFFFF  }
0xae: {  	[dreg:$0x0] =	wrdreg $0x60  }
0xaf: {  	[dreg:$0x2] =	wrdreg s2  }
0xb0: {  	[dreg:$0x3] =	wrdreg s24  }
0xb1: {  	[dreg:$0x4] =	wrdreg s18  }
0xb2: {  	[dreg:$0x5] =	wrdreg $0x9  }
0xb3: {  	_ =	task.clear_ibuf [dreg:s8], $0x6FFFF;
	_ =	strace $0x90000046  }
0xb4: {  	s29 =	simm.s32 $0x9;
	_ =	strace $0x80000048  }
0xb5: {  	_ =	swait.ge [sflag:s29], $0x1  }
0xb6: {  	[sflag:s29] =	ssyncadd.s32 $0xFFFFFFFF  }
0xb7: {  	_ =	strace $0x90000048  }
0xb8: {  	_ =	sfence  }
0xb9: {  	s30 =	sld [smem:$0x0];
	_ =	sdelay $0x2  }
0xba: {  	s31 =	sshll.u32 s1, $0xD;
	s1 =	sshrl.u32 s1, $0x2  }
0xbb: {  	s3 =	sand.u32 $0x4000, s31;
	s1 =	sadd.s32 s1, s30  }
0xbc: {  	s0 =	sor.u32 s3, s0;
	s1 =	sshll.u32 s1, $0x11  }
0xbd: {  	s0 =	sor.u32 s1, s0  }
0xbe: {  	s0 =	sadd.s32 $0x8F2B, s0  }
0xbf: {  	[sflag:s0] =	ssyncadd.remote.s32 $0x1  }
0xc0: {  	_ =	sfence.sel $0xFFFF  }
0xc1: {  	[dreg:$0x0] =	wrdreg $0xFFFFFFFF;
	(pc) =	sbr.abs _section_cstart, $3  }
0xc2: {  	[dreg:$0x1] =	wrdreg $0xFFFFFFFF  }
0xc3: {  	_ =	task.clear_ibuf [dreg:s8], $0x2FFFF;
	_ =	strace $0x9FFFFFFF  }
0xc4: {  	(tm) =	ssettm $0x7FFFFFFF  }
0xc5: {  	_ =	shalt  }
tec
execute0_lowered:
.L_overlay_start_1:
0x0: {  	(tag) =	ssettag $0x1  }
0x1: {  	s10 =	rddreg [dreg:$0x0]  }
0x2: {  	s3 =	rddreg [dreg:$0x1]  }
0x3: {  	s13 =	rddreg [dreg:$0x2]  }
0x4: {  	s2 =	srdreg.scid;
	s1 =	stileid.u32  }
0x5: {  	s0 =	rddreg [dreg:$0x3];
	s16 =	simm.s32 $0xC100;
	s17 =	simm.s32 $0x7  }
0x6: {  	s18 =	simm.s32 $0x14100;
	s19 =	simm.s32 $0x1;
	s20 =	simm.s32 $0x4  }
0x7: {  	s21 =	simm.s32 $0x2;
	s22 =	simm.s32 $0x5;
	s23 =	simm.s32 $0x3  }
0x8: {  	s24 =	simm.s32 $0x6;
	s25 =	simm.s32 $0x0;
	s4 =	sand.u32 $0x1, s2  }
0x9: {  	s5 =	sshll.u32 s1, $0x1;
	s2 =	simm.s32 $0x0;
	s6 =	sshrl.u32 s1, $0x1  }
0xa: {  	s5 =	sor.u32 s4, s5;
	[smem:$0x7FF] =	sst s2;
	s6 =	smul.u32 $0xA0000, s6  }
0xb: {  	s4 =	ssub.s32 $0x2, s4;
	s7 =	sshll.u32 s5, $0xF;
	s5 =	smul.u32 $0x820, s5  }
0xc: {  	_ =	strace $0x80000047;
	s8 =	sshrl.u32 s4, $0x1;
	s7 =	sand.u32 $0x18000, s7  }
0xd: {  	s14 =	ssub.s32 s4, s8;
	s6 =	sor.u32 s6, s7;
	s5 =	sadd.s32 s5, s3  }
0xe: {  	s14 =	smax.u32 s14, $0x1;
	s31 =	sshrl.u32 s6, $0x3;
	s5 =	sadd.s32 $0x400, s5  }
0xf: {  	s3 =	sadd.s32 s10, s31;
	s9 =	sadd.s32 $0x4000, s31;
	s11 =	sadd.s32 $0x8000, s31  }
0x10: {  	s7 =	sadd.s32 s13, s31;
	s12 =	sadd.s32 $0xC000, s31;
	s15 =	sadd.s32 $0x10000, s31  }
0x11: {  	s4 =	sadd.s32 s10, s9;
	s6 =	sadd.s32 s10, s11;
	s8 =	sadd.s32 s10, s12  }
0x12: {  	s9 =	sadd.s32 s13, s9;
	s10 =	sadd.s32 s10, s15;
	s11 =	sadd.s32 s13, s11  }
0x13: {  	v0 =	vimm.f32 $0.0e+00;
	s12 =	sadd.s32 s13, s12;
	s13 =	sadd.s32 s13, s15;
	s15 =	simm.s32 $0x4100  }
.LBB2_1:
0x14: {  	[tilespmem:s15], [sflag:$0x1] =	stream.linear.gather [hbm4b:s3+s2], $0x8000, $0x38;
	[tilespmem:$0x1C100] =	vst v63  }
0x15: {  	_ = 	snop  }
0x16: {  	[tilespmem:s16], [sflag:$0x2] =	stream.linear.gather [hbm4b:s4+s2], $0x8000, $0x38;
	[tilespmem:$0x1C100] =	vst v63  }
0x17: {  	_ = 	snop  }
0x18: {  	[tilespmem:s2], [sflag:$0x7] =	stream.linear.gather [hbm4b:s5+s2], $0x4100, $0x38;
	[tilespmem:$0x1C100] =	vst v63  }
0x19: {  	_ =	swait.ge [sflag:s17], $0x4100  }
0x1a: {  	[sflag:s17] =	ssyncset.done $0x0  }
0x1b: {  	[sflag:s17] =	ssyncadd.s32 $0xFFFFBF00  }
0x1c: {  	[tilespmem:s18], [sflag:$0x3] =	stream.linear.gather [hbm4b:s6+s2], $0x8000, $0x38;
	[tilespmem:$0x1C100] =	vst v63  }
0x1d: {  	_ =	swait.ge [sflag:s19], $0x8000  }
0x1e: {  	[sflag:s19] =	ssyncset.done $0x0  }
0x1f: {  	s26 =	simm.s32 $0x40;
	[sflag:s19] =	ssyncadd.s32 $0xFFFF8000  }
0x20: {  	v1 =	vld [tilespmem:s26+$0x30]  }
0x21: {  	v5 =	vld [tilespmem:s26+$0xFFFFFFD0]  }
0x22: {  	v6 =	vld [tilespmem:s26+$0xFFFFFFE0]  }
0x23: {  	v7 =	vld [tilespmem:s26+$0xFFFFFFF0]  }
0x24: {  	v11 =	vld [tilespmem:s26+$0xFFFFFFC0]  }
0x25: {  	v8 =	vld [tilespmem:s26+$0x0];
	_ =	sdelay $0x1  }
0x26: {  	v2 =	vshll.u32 v1, $0x3  }
0x27: {  	v9 =	vld [tilespmem:s26+$0x10];
	v3 =	vshrl.u32 v1, $0x4;
	v1 =	vand.u32 $0xFFFFC07F, v1;
	v4 =	vshll.u32 v5, $0x3  }
0x28: {  	v12 =	vshll.u32 v7, $0x3;
	v14 =	vshll.u32 v11, $0x3;
	v19 =	vand.u32 $0xFFFFC07F, v5  }
0x29: {  	v20 =	vand.u32 $0xFFFFC07F, v6;
	v21 =	vand.u32 $0xFFFFC07F, v7;
	v22 =	vand.u32 $0xFFFFC07F, v8  }
0x2a: {  	v10 =	vld [tilespmem:s26+$0x20];
	v2 =	vand.u32 $0x3C00, v2;
	v3 =	vand.u32 $0x380, v3;
	v15 =	vand.u32 $0x3C00, v4  }
0x2b: {  	v12 =	vand.u32 $0x3C00, v12;
	v4 =	vshrl.u32 v11, $0x4;
	v16 =	vand.u32 $0x3C00, v14  }
0x2c: {  	v11 =	vand.u32 $0xFFFFC07F, v11;
	v14 =	vand.u32 $0xFFFFC07F, v9;
	v1 =	vor.u32 v2, v1  }
0x2d: {  	v2 =	vshll.u32 v6, $0x3;
	v12 =	vor.u32 v12, v21;
	v13 =	vor.u32 v3, v1  }
0x2e: {  	v17 =	vand.u32 $0x3C00, v2;
	v1 =	vshll.u32 v8, $0x3;
	v2 =	vshrl.u32 v5, $0x4  }
0x2f: {  	v3 =	vshll.u32 v10, $0x3;
	v5 =	vshrl.u32 v6, $0x4;
	v6 =	vshrl.u32 v7, $0x4  }
0x30: {  	v7 =	vshrl.u32 v8, $0x4;
	v8 =	vshrl.u32 v9, $0x4;
	v18 =	vand.u32 $0x3C00, v1  }
0x31: {  	v1 =	vshll.u32 v9, $0x3;
	v3 =	vand.u32 $0x3C00, v3;
	v9 =	vshrl.u32 v10, $0x4  }
0x32: {  	v1 =	vand.u32 $0x3C00, v1;
	[tilespmem:v13+s15+$0x0] =	vst.idx.msk $0xffff, v0;
	v13 =	vor.u32 v16, v11;
	v11 =	vor.u32 v15, v19  }
0x33: {  	s28 =	simm.s32 $0xC0;
	s26 =	simm.s32 $0x0;
	v16 =	vand.u32 $0xFFFFC07F, v10;
	v15 =	vor.u32 v17, v20;
	v10 =	vor.u32 v18, v22  }
.LBB2_2:
0x34: {  	v17 =	vld [tilespmem:s28+$0x30];
	s26 =	sadd.s32 $0x80, s26;
	v4 =	vand.u32 $0x380, v4;
	v1 =	vor.u32 v1, v14;
	v3 =	vor.u32 v3, v16  }
0x35: {  	v2 =	vand.u32 $0x380, v2;
	v5 =	vand.u32 $0x380, v5;
	v6 =	vand.u32 $0x380, v6;
	v14 =	vld [tilespmem:s28+$0xFFFFFFD0];
	p0 =	slt.u32 s26, $0x4080  }
0x36: {  	v7 =	vand.u32 $0x380, v7;
	v8 =	vand.u32 $0x380, v8;
	v9 =	vand.u32 $0x380, v9;
	v16 =	vld [tilespmem:s28+$0xFFFFFFE0]  }
0x37: {  	v4 =	vor.u32 v4, v13;
	v2 =	vor.u32 v2, v11;
	v5 =	vor.u32 v5, v15;
	v18 =	vld [tilespmem:s28+$0xFFFFFFF0]  }
0x38: {  	v6 =	vor.u32 v6, v12;
	v7 =	vor.u32 v7, v10;
	v8 =	vor.u32 v8, v1;
	v11 =	vld [tilespmem:s28+$0x0]  }
0x39: {  	v9 =	vor.u32 v9, v3;
	v10 =	vld [tilespmem:s28+$0x10];
	v1 =	vshll.u32 v17, $0x3  }
0x3a: {  	v3 =	vshrl.u32 v17, $0x4;
	v13 =	vand.u32 $0xFFFFC07F, v17;
	v12 =	vld [tilespmem:s28+$0x20];
	v1 =	vand.u32 $0x3C00, v1  }
0x3b: {  	v17 =	vshll.u32 v14, $0x3;
	v3 =	vand.u32 $0x380, v3;
	v15 =	vld [tilespmem:s28+$0xFFFFFFC0];
	v1 =	vor.u32 v1, v13  }
0x3c: {  	v13 =	vshll.u32 v16, $0x3;
	v19 =	vshll.u32 v18, $0x3;
	v20 =	vor.u32 v3, v1;
	[tilespmem:v4+s15+$0x0] =	vst.idx.msk $0xffff, v0  }
0x3d: {  	v17 =	vand.u32 $0x3C00, v17;
	v21 =	vand.u32 $0x3C00, v13;
	v1 =	vshll.u32 v11, $0x3;
	[tilespmem:v2+s15+$0x0] =	vst.idx.msk $0xffff, v0  }
0x3e: {  	v19 =	vand.u32 $0x3C00, v19;
	v22 =	vand.u32 $0x3C00, v1;
	v1 =	vshll.u32 v10, $0x3;
	[tilespmem:v5+s15+$0x0] =	vst.idx.msk $0xffff, v0  }
0x3f: {  	v2 =	vshrl.u32 v14, $0x4;
	v1 =	vand.u32 $0x3C00, v1;
	v3 =	vshll.u32 v12, $0x3;
	[tilespmem:v6+s15+$0x0] =	vst.idx.msk $0xffff, v0  }
0x40: {  	v5 =	vshll.u32 v15, $0x3;
	v4 =	vshrl.u32 v15, $0x4;
	v3 =	vand.u32 $0x3C00, v3;
	[tilespmem:v7+s15+$0x0] =	vst.idx.msk $0xffff, v0  }
0x41: {  	v23 =	vand.u32 $0xFFFFC07F, v14;
	v15 =	vand.u32 $0xFFFFC07F, v15;
	v13 =	vand.u32 $0x3C00, v5;
	[tilespmem:v20+s15+$0x0] =	vst.idx.msk $0xffff, v0  }
.Ltmp0:
0x42: {  	v6 =	vshrl.u32 v18, $0x4;
	v5 =	vshrl.u32 v16, $0x4;
	v20 =	vand.u32 $0xFFFFC07F, v16;
	[tilespmem:v8+s15+$0x0] =	vst.idx.msk $0xffff, v0;
	(pc) =	sbr.rel @p0 .LBB2_2-.Ltmp0, $4  }
0x43: {  	v24 =	vand.u32 $0xFFFFC07F, v11;
	v18 =	vand.u32 $0xFFFFC07F, v18;
	v7 =	vshrl.u32 v11, $0x4;
	[tilespmem:v9+s15+$0x0] =	vst.idx.msk $0xffff, v0  }
0x44: {  	v14 =	vand.u32 $0xFFFFC07F, v10;
	v8 =	vshrl.u32 v10, $0x4;
	v9 =	vshrl.u32 v12, $0x4  }
0x45: {  	v11 =	vor.u32 v17, v23;
	v16 =	vand.u32 $0xFFFFC07F, v12;
	v13 =	vor.u32 v13, v15  }
0x46: {  	s28 =	sadd.s32 $0x80, s28;
	v15 =	vor.u32 v21, v20;
	v10 =	vor.u32 v22, v24;
	v12 =	vor.u32 v19, v18  }
0x47: {  	v4 =	vand.u32 $0x380, v4  }
0x48: {  	v2 =	vand.u32 $0x380, v2;
	v4 =	vor.u32 v4, v13  }
0x49: {  	v5 =	vand.u32 $0x380, v5;
	v2 =	vor.u32 v2, v11  }
0x4a: {  	v6 =	vand.u32 $0x380, v6;
	v5 =	vor.u32 v5, v15  }
0x4b: {  	v7 =	vand.u32 $0x380, v7;
	v6 =	vor.u32 v6, v12  }
0x4c: {  	v1 =	vor.u32 v1, v14;
	v8 =	vand.u32 $0x380, v8;
	v7 =	vor.u32 v7, v10  }
0x4d: {  	v3 =	vor.u32 v3, v16;
	v9 =	vand.u32 $0x380, v9;
	v1 =	vor.u32 v8, v1;
	[tilespmem:v4+s15+$0x0] =	vst.idx.msk $0xffff, v0  }
0x4e: {  	v3 =	vor.u32 v9, v3;
	[tilespmem:v2+s15+$0x0] =	vst.idx.msk $0xffff, v0  }
0x4f: {  	[tilespmem:v5+s15+$0x0] =	vst.idx.msk $0xffff, v0  }
0x50: {  	[tilespmem:v6+s15+$0x0] =	vst.idx.msk $0xffff, v0  }
0x51: {  	[tilespmem:v7+s15+$0x0] =	vst.idx.msk $0xffff, v0  }
0x52: {  	[tilespmem:v1+s15+$0x0] =	vst.idx.msk $0xffff, v0  }
0x53: {  	[tilespmem:v3+s15+$0x0] =	vst.idx.msk $0xffff, v0  }
0x54: {  	[hbm4b:s7+s2] =	stream.linear.scatter [tilespmem:s15], [sflag:$0x4], $0x8000, $0x38;
	[tilespmem:$0x1C100] =	vst v63  }
0x55: {  	_ =	swait.ge [sflag:s20], $0x8000  }
0x56: {  	[sflag:s20] =	ssyncset.done $0x0  }
0x57: {  	[sflag:s20] =	ssyncadd.s32 $0xFFFF8000  }
0x58: {  	[tilespmem:s15], [sflag:$0x1] =	stream.linear.gather [hbm4b:s8+s2], $0x8000, $0x38;
	[tilespmem:$0x1C100] =	vst v63  }
0x59: {  	_ =	swait.ge [sflag:s21], $0x8000  }
0x5a: {  	[sflag:s21] =	ssyncset.done $0x0  }
0x5b: {  	s26 =	simm.s32 $0x40;
	[sflag:s21] =	ssyncadd.s32 $0xFFFF8000  }
0x5c: {  	v1 =	vld [tilespmem:s26+$0x30]  }
0x5d: {  	v5 =	vld [tilespmem:s26+$0xFFFFFFD0]  }
0x5e: {  	v6 =	vld [tilespmem:s26+$0xFFFFFFE0]  }
0x5f: {  	v7 =	vld [tilespmem:s26+$0xFFFFFFF0]  }
0x60: {  	v11 =	vld [tilespmem:s26+$0xFFFFFFC0]  }
0x61: {  	v8 =	vld [tilespmem:s26+$0x0];
	_ =	sdelay $0x1  }
0x62: {  	v2 =	vshll.u32 v1, $0x3  }
0x63: {  	v9 =	vld [tilespmem:s26+$0x10];
	v3 =	vshrl.u32 v1, $0x4;
	v1 =	vand.u32 $0xFFFFC07F, v1;
	v4 =	vshll.u32 v5, $0x3  }
0x64: {  	v12 =	vshll.u32 v7, $0x3;
	v14 =	vshll.u32 v11, $0x3;
	v19 =	vand.u32 $0xFFFFC07F, v5  }
0x65: {  	v20 =	vand.u32 $0xFFFFC07F, v6;
	v21 =	vand.u32 $0xFFFFC07F, v7;
	v22 =	vand.u32 $0xFFFFC07F, v8  }
0x66: {  	v10 =	vld [tilespmem:s26+$0x20];
	v2 =	vand.u32 $0x3C00, v2;
	v3 =	vand.u32 $0x380, v3;
	v15 =	vand.u32 $0x3C00, v4  }
0x67: {  	v12 =	vand.u32 $0x3C00, v12;
	v4 =	vshrl.u32 v11, $0x4;
	v16 =	vand.u32 $0x3C00, v14  }
0x68: {  	v11 =	vand.u32 $0xFFFFC07F, v11;
	v14 =	vand.u32 $0xFFFFC07F, v9;
	v1 =	vor.u32 v2, v1  }
0x69: {  	v2 =	vshll.u32 v6, $0x3;
	v12 =	vor.u32 v12, v21;
	v13 =	vor.u32 v3, v1  }
0x6a: {  	v17 =	vand.u32 $0x3C00, v2;
	v1 =	vshll.u32 v8, $0x3;
	v2 =	vshrl.u32 v5, $0x4  }
0x6b: {  	v3 =	vshll.u32 v10, $0x3;
	v5 =	vshrl.u32 v6, $0x4;
	v6 =	vshrl.u32 v7, $0x4  }
0x6c: {  	v7 =	vshrl.u32 v8, $0x4;
	v8 =	vshrl.u32 v9, $0x4;
	v18 =	vand.u32 $0x3C00, v1  }
0x6d: {  	v1 =	vshll.u32 v9, $0x3;
	v3 =	vand.u32 $0x3C00, v3;
	v9 =	vshrl.u32 v10, $0x4  }
0x6e: {  	v1 =	vand.u32 $0x3C00, v1;
	[tilespmem:v13+s16+$0x0] =	vst.idx.msk $0xffff, v0;
	v13 =	vor.u32 v16, v11;
	v11 =	vor.u32 v15, v19  }
0x6f: {  	s28 =	simm.s32 $0xC0;
	s26 =	simm.s32 $0x0;
	v16 =	vand.u32 $0xFFFFC07F, v10;
	v15 =	vor.u32 v17, v20;
	v10 =	vor.u32 v18, v22  }
.LBB2_4:
0x70: {  	v17 =	vld [tilespmem:s28+$0x30];
	s26 =	sadd.s32 $0x80, s26;
	v4 =	vand.u32 $0x380, v4;
	v1 =	vor.u32 v1, v14;
	v3 =	vor.u32 v3, v16  }
0x71: {  	v2 =	vand.u32 $0x380, v2;
	v5 =	vand.u32 $0x380, v5;
	v6 =	vand.u32 $0x380, v6;
	v14 =	vld [tilespmem:s28+$0xFFFFFFD0];
	p0 =	slt.u32 s26, $0x4080  }
0x72: {  	v7 =	vand.u32 $0x380, v7;
	v8 =	vand.u32 $0x380, v8;
	v9 =	vand.u32 $0x380, v9;
	v16 =	vld [tilespmem:s28+$0xFFFFFFE0]  }
0x73: {  	v4 =	vor.u32 v4, v13;
	v2 =	vor.u32 v2, v11;
	v5 =	vor.u32 v5, v15;
	v18 =	vld [tilespmem:s28+$0xFFFFFFF0]  }
0x74: {  	v6 =	vor.u32 v6, v12;
	v7 =	vor.u32 v7, v10;
	v8 =	vor.u32 v8, v1;
	v11 =	vld [tilespmem:s28+$0x0]  }
0x75: {  	v9 =	vor.u32 v9, v3;
	v10 =	vld [tilespmem:s28+$0x10];
	v1 =	vshll.u32 v17, $0x3  }
0x76: {  	v3 =	vshrl.u32 v17, $0x4;
	v13 =	vand.u32 $0xFFFFC07F, v17;
	v12 =	vld [tilespmem:s28+$0x20];
	v1 =	vand.u32 $0x3C00, v1  }
0x77: {  	v17 =	vshll.u32 v14, $0x3;
	v3 =	vand.u32 $0x380, v3;
	v15 =	vld [tilespmem:s28+$0xFFFFFFC0];
	v1 =	vor.u32 v1, v13  }
0x78: {  	v13 =	vshll.u32 v16, $0x3;
	v19 =	vshll.u32 v18, $0x3;
	v20 =	vor.u32 v3, v1;
	[tilespmem:v4+s16+$0x0] =	vst.idx.msk $0xffff, v0  }
0x79: {  	v17 =	vand.u32 $0x3C00, v17;
	v21 =	vand.u32 $0x3C00, v13;
	v1 =	vshll.u32 v11, $0x3;
	[tilespmem:v2+s16+$0x0] =	vst.idx.msk $0xffff, v0  }
0x7a: {  	v19 =	vand.u32 $0x3C00, v19;
	v22 =	vand.u32 $0x3C00, v1;
	v1 =	vshll.u32 v10, $0x3;
	[tilespmem:v5+s16+$0x0] =	vst.idx.msk $0xffff, v0  }
0x7b: {  	v2 =	vshrl.u32 v14, $0x4;
	v1 =	vand.u32 $0x3C00, v1;
	v3 =	vshll.u32 v12, $0x3;
	[tilespmem:v6+s16+$0x0] =	vst.idx.msk $0xffff, v0  }
0x7c: {  	v5 =	vshll.u32 v15, $0x3;
	v4 =	vshrl.u32 v15, $0x4;
	v3 =	vand.u32 $0x3C00, v3;
	[tilespmem:v7+s16+$0x0] =	vst.idx.msk $0xffff, v0  }
0x7d: {  	v23 =	vand.u32 $0xFFFFC07F, v14;
	v15 =	vand.u32 $0xFFFFC07F, v15;
	v13 =	vand.u32 $0x3C00, v5;
	[tilespmem:v20+s16+$0x0] =	vst.idx.msk $0xffff, v0  }
.Ltmp1:
0x7e: {  	v6 =	vshrl.u32 v18, $0x4;
	v5 =	vshrl.u32 v16, $0x4;
	v20 =	vand.u32 $0xFFFFC07F, v16;
	[tilespmem:v8+s16+$0x0] =	vst.idx.msk $0xffff, v0;
	(pc) =	sbr.rel @p0 .LBB2_4-.Ltmp1, $4  }
0x7f: {  	v24 =	vand.u32 $0xFFFFC07F, v11;
	v18 =	vand.u32 $0xFFFFC07F, v18;
	v7 =	vshrl.u32 v11, $0x4;
	[tilespmem:v9+s16+$0x0] =	vst.idx.msk $0xffff, v0  }
0x80: {  	v14 =	vand.u32 $0xFFFFC07F, v10;
	v8 =	vshrl.u32 v10, $0x4;
	v9 =	vshrl.u32 v12, $0x4  }
0x81: {  	v11 =	vor.u32 v17, v23;
	v16 =	vand.u32 $0xFFFFC07F, v12;
	v13 =	vor.u32 v13, v15  }
0x82: {  	s28 =	sadd.s32 $0x80, s28;
	v15 =	vor.u32 v21, v20;
	v10 =	vor.u32 v22, v24;
	v12 =	vor.u32 v19, v18  }
0x83: {  	v4 =	vand.u32 $0x380, v4  }
0x84: {  	v2 =	vand.u32 $0x380, v2;
	v4 =	vor.u32 v4, v13  }
0x85: {  	v5 =	vand.u32 $0x380, v5;
	v2 =	vor.u32 v2, v11  }
0x86: {  	v6 =	vand.u32 $0x380, v6;
	v5 =	vor.u32 v5, v15  }
0x87: {  	v7 =	vand.u32 $0x380, v7;
	v6 =	vor.u32 v6, v12  }
0x88: {  	v1 =	vor.u32 v1, v14;
	v8 =	vand.u32 $0x380, v8;
	v7 =	vor.u32 v7, v10  }
0x89: {  	v3 =	vor.u32 v3, v16;
	v9 =	vand.u32 $0x380, v9;
	v1 =	vor.u32 v8, v1;
	[tilespmem:v4+s16+$0x0] =	vst.idx.msk $0xffff, v0  }
0x8a: {  	v3 =	vor.u32 v9, v3;
	[tilespmem:v2+s16+$0x0] =	vst.idx.msk $0xffff, v0  }
0x8b: {  	[tilespmem:v5+s16+$0x0] =	vst.idx.msk $0xffff, v0  }
0x8c: {  	[tilespmem:v6+s16+$0x0] =	vst.idx.msk $0xffff, v0  }
0x8d: {  	[tilespmem:v7+s16+$0x0] =	vst.idx.msk $0xffff, v0  }
0x8e: {  	[tilespmem:v1+s16+$0x0] =	vst.idx.msk $0xffff, v0  }
0x8f: {  	[tilespmem:v3+s16+$0x0] =	vst.idx.msk $0xffff, v0  }
0x90: {  	[hbm4b:s9+s2] =	stream.linear.scatter [tilespmem:s16], [sflag:$0x5], $0x8000, $0x38;
	[tilespmem:$0x1C100] =	vst v63  }
0x91: {  	_ =	swait.ge [sflag:s22], $0x8000  }
0x92: {  	[sflag:s22] =	ssyncset.done $0x0  }
0x93: {  	[sflag:s22] =	ssyncadd.s32 $0xFFFF8000  }
0x94: {  	[tilespmem:s16], [sflag:$0x2] =	stream.linear.gather [hbm4b:s10+s2], $0x8000, $0x38;
	[tilespmem:$0x1C100] =	vst v63  }
0x95: {  	_ =	swait.ge [sflag:s23], $0x8000  }
0x96: {  	[sflag:s23] =	ssyncset.done $0x0  }
0x97: {  	s26 =	simm.s32 $0x40;
	[sflag:s23] =	ssyncadd.s32 $0xFFFF8000  }
0x98: {  	v1 =	vld [tilespmem:s26+$0x30]  }
0x99: {  	v5 =	vld [tilespmem:s26+$0xFFFFFFD0]  }
0x9a: {  	v6 =	vld [tilespmem:s26+$0xFFFFFFE0]  }
0x9b: {  	v7 =	vld [tilespmem:s26+$0xFFFFFFF0]  }
0x9c: {  	v11 =	vld [tilespmem:s26+$0xFFFFFFC0]  }
0x9d: {  	v8 =	vld [tilespmem:s26+$0x0];
	_ =	sdelay $0x1  }
0x9e: {  	v2 =	vshll.u32 v1, $0x3  }
0x9f: {  	v9 =	vld [tilespmem:s26+$0x10];
	v3 =	vshrl.u32 v1, $0x4;
	v1 =	vand.u32 $0xFFFFC07F, v1;
	v4 =	vshll.u32 v5, $0x3  }
0xa0: {  	v12 =	vshll.u32 v7, $0x3;
	v14 =	vshll.u32 v11, $0x3;
	v19 =	vand.u32 $0xFFFFC07F, v5  }
0xa1: {  	v20 =	vand.u32 $0xFFFFC07F, v6;
	v21 =	vand.u32 $0xFFFFC07F, v7;
	v22 =	vand.u32 $0xFFFFC07F, v8  }
0xa2: {  	v10 =	vld [tilespmem:s26+$0x20];
	v2 =	vand.u32 $0x3C00, v2;
	v3 =	vand.u32 $0x380, v3;
	v15 =	vand.u32 $0x3C00, v4  }
0xa3: {  	v12 =	vand.u32 $0x3C00, v12;
	v4 =	vshrl.u32 v11, $0x4;
	v16 =	vand.u32 $0x3C00, v14  }
0xa4: {  	v11 =	vand.u32 $0xFFFFC07F, v11;
	v14 =	vand.u32 $0xFFFFC07F, v9;
	v1 =	vor.u32 v2, v1  }
0xa5: {  	v2 =	vshll.u32 v6, $0x3;
	v12 =	vor.u32 v12, v21;
	v13 =	vor.u32 v3, v1  }
0xa6: {  	v17 =	vand.u32 $0x3C00, v2;
	v1 =	vshll.u32 v8, $0x3;
	v2 =	vshrl.u32 v5, $0x4  }
0xa7: {  	v3 =	vshll.u32 v10, $0x3;
	v5 =	vshrl.u32 v6, $0x4;
	v6 =	vshrl.u32 v7, $0x4  }
0xa8: {  	v7 =	vshrl.u32 v8, $0x4;
	v8 =	vshrl.u32 v9, $0x4;
	v18 =	vand.u32 $0x3C00, v1  }
0xa9: {  	v1 =	vshll.u32 v9, $0x3;
	v3 =	vand.u32 $0x3C00, v3;
	v9 =	vshrl.u32 v10, $0x4  }
0xaa: {  	v1 =	vand.u32 $0x3C00, v1;
	[tilespmem:v13+s18+$0x0] =	vst.idx.msk $0xffff, v0;
	v13 =	vor.u32 v16, v11;
	v11 =	vor.u32 v15, v19  }
0xab: {  	s28 =	simm.s32 $0xC0;
	s26 =	simm.s32 $0x0;
	v16 =	vand.u32 $0xFFFFC07F, v10;
	v15 =	vor.u32 v17, v20;
	v10 =	vor.u32 v18, v22  }
.LBB2_6:
0xac: {  	v17 =	vld [tilespmem:s28+$0x30];
	s26 =	sadd.s32 $0x80, s26;
	v4 =	vand.u32 $0x380, v4;
	v1 =	vor.u32 v1, v14;
	v3 =	vor.u32 v3, v16  }
0xad: {  	v2 =	vand.u32 $0x380, v2;
	v5 =	vand.u32 $0x380, v5;
	v6 =	vand.u32 $0x380, v6;
	v14 =	vld [tilespmem:s28+$0xFFFFFFD0];
	p0 =	slt.u32 s26, $0x4080  }
0xae: {  	v7 =	vand.u32 $0x380, v7;
	v8 =	vand.u32 $0x380, v8;
	v9 =	vand.u32 $0x380, v9;
	v16 =	vld [tilespmem:s28+$0xFFFFFFE0]  }
0xaf: {  	v4 =	vor.u32 v4, v13;
	v2 =	vor.u32 v2, v11;
	v5 =	vor.u32 v5, v15;
	v18 =	vld [tilespmem:s28+$0xFFFFFFF0]  }
0xb0: {  	v6 =	vor.u32 v6, v12;
	v7 =	vor.u32 v7, v10;
	v8 =	vor.u32 v8, v1;
	v11 =	vld [tilespmem:s28+$0x0]  }
0xb1: {  	v9 =	vor.u32 v9, v3;
	v10 =	vld [tilespmem:s28+$0x10];
	v1 =	vshll.u32 v17, $0x3  }
0xb2: {  	v3 =	vshrl.u32 v17, $0x4;
	v13 =	vand.u32 $0xFFFFC07F, v17;
	v12 =	vld [tilespmem:s28+$0x20];
	v1 =	vand.u32 $0x3C00, v1  }
0xb3: {  	v17 =	vshll.u32 v14, $0x3;
	v3 =	vand.u32 $0x380, v3;
	v15 =	vld [tilespmem:s28+$0xFFFFFFC0];
	v1 =	vor.u32 v1, v13  }
0xb4: {  	v13 =	vshll.u32 v16, $0x3;
	v19 =	vshll.u32 v18, $0x3;
	v20 =	vor.u32 v3, v1;
	[tilespmem:v4+s18+$0x0] =	vst.idx.msk $0xffff, v0  }
0xb5: {  	v17 =	vand.u32 $0x3C00, v17;
	v21 =	vand.u32 $0x3C00, v13;
	v1 =	vshll.u32 v11, $0x3;
	[tilespmem:v2+s18+$0x0] =	vst.idx.msk $0xffff, v0  }
0xb6: {  	v19 =	vand.u32 $0x3C00, v19;
	v22 =	vand.u32 $0x3C00, v1;
	v1 =	vshll.u32 v10, $0x3;
	[tilespmem:v5+s18+$0x0] =	vst.idx.msk $0xffff, v0  }
0xb7: {  	v2 =	vshrl.u32 v14, $0x4;
	v1 =	vand.u32 $0x3C00, v1;
	v3 =	vshll.u32 v12, $0x3;
	[tilespmem:v6+s18+$0x0] =	vst.idx.msk $0xffff, v0  }
0xb8: {  	v5 =	vshll.u32 v15, $0x3;
	v4 =	vshrl.u32 v15, $0x4;
	v3 =	vand.u32 $0x3C00, v3;
	[tilespmem:v7+s18+$0x0] =	vst.idx.msk $0xffff, v0  }
0xb9: {  	v23 =	vand.u32 $0xFFFFC07F, v14;
	v15 =	vand.u32 $0xFFFFC07F, v15;
	v13 =	vand.u32 $0x3C00, v5;
	[tilespmem:v20+s18+$0x0] =	vst.idx.msk $0xffff, v0  }
.Ltmp2:
0xba: {  	v6 =	vshrl.u32 v18, $0x4;
	v5 =	vshrl.u32 v16, $0x4;
	v20 =	vand.u32 $0xFFFFC07F, v16;
	[tilespmem:v8+s18+$0x0] =	vst.idx.msk $0xffff, v0;
	(pc) =	sbr.rel @p0 .LBB2_6-.Ltmp2, $4  }
0xbb: {  	v24 =	vand.u32 $0xFFFFC07F, v11;
	v18 =	vand.u32 $0xFFFFC07F, v18;
	v7 =	vshrl.u32 v11, $0x4;
	[tilespmem:v9+s18+$0x0] =	vst.idx.msk $0xffff, v0  }
0xbc: {  	v14 =	vand.u32 $0xFFFFC07F, v10;
	v8 =	vshrl.u32 v10, $0x4;
	v9 =	vshrl.u32 v12, $0x4  }
0xbd: {  	v11 =	vor.u32 v17, v23;
	v16 =	vand.u32 $0xFFFFC07F, v12;
	v13 =	vor.u32 v13, v15  }
0xbe: {  	s28 =	sadd.s32 $0x80, s28;
	v15 =	vor.u32 v21, v20;
	v10 =	vor.u32 v22, v24;
	v12 =	vor.u32 v19, v18  }
0xbf: {  	v4 =	vand.u32 $0x380, v4  }
0xc0: {  	v2 =	vand.u32 $0x380, v2;
	v4 =	vor.u32 v4, v13  }
0xc1: {  	v5 =	vand.u32 $0x380, v5;
	v2 =	vor.u32 v2, v11  }
0xc2: {  	v6 =	vand.u32 $0x380, v6;
	v5 =	vor.u32 v5, v15  }
0xc3: {  	v7 =	vand.u32 $0x380, v7;
	v6 =	vor.u32 v6, v12  }
0xc4: {  	v1 =	vor.u32 v1, v14;
	v8 =	vand.u32 $0x380, v8;
	v7 =	vor.u32 v7, v10  }
0xc5: {  	v3 =	vor.u32 v3, v16;
	v9 =	vand.u32 $0x380, v9;
	v1 =	vor.u32 v8, v1;
	[tilespmem:v4+s18+$0x0] =	vst.idx.msk $0xffff, v0  }
0xc6: {  	v3 =	vor.u32 v9, v3;
	[tilespmem:v2+s18+$0x0] =	vst.idx.msk $0xffff, v0  }
0xc7: {  	[tilespmem:v5+s18+$0x0] =	vst.idx.msk $0xffff, v0  }
0xc8: {  	[tilespmem:v6+s18+$0x0] =	vst.idx.msk $0xffff, v0  }
0xc9: {  	[tilespmem:v7+s18+$0x0] =	vst.idx.msk $0xffff, v0  }
0xca: {  	[tilespmem:v1+s18+$0x0] =	vst.idx.msk $0xffff, v0  }
0xcb: {  	[tilespmem:v3+s18+$0x0] =	vst.idx.msk $0xffff, v0  }
0xcc: {  	[hbm4b:s11+s2] =	stream.linear.scatter [tilespmem:s18], [sflag:$0x6], $0x8000, $0x38;
	[tilespmem:$0x1C100] =	vst v63  }
0xcd: {  	_ =	swait.ge [sflag:s19], $0x8000  }
0xce: {  	[sflag:s19] =	ssyncset.done $0x0  }
0xcf: {  	s26 =	simm.s32 $0x40;
	[sflag:s19] =	ssyncadd.s32 $0xFFFF8000  }
0xd0: {  	v1 =	vld [tilespmem:s26+$0x30]  }
0xd1: {  	v5 =	vld [tilespmem:s26+$0xFFFFFFD0]  }
0xd2: {  	v6 =	vld [tilespmem:s26+$0xFFFFFFE0]  }
0xd3: {  	v7 =	vld [tilespmem:s26+$0xFFFFFFF0]  }
0xd4: {  	v11 =	vld [tilespmem:s26+$0xFFFFFFC0]  }
0xd5: {  	v8 =	vld [tilespmem:s26+$0x0];
	_ =	sdelay $0x1  }
0xd6: {  	v2 =	vshll.u32 v1, $0x3  }
0xd7: {  	v9 =	vld [tilespmem:s26+$0x10];
	v3 =	vshrl.u32 v1, $0x4;
	v1 =	vand.u32 $0xFFFFC07F, v1;
	v4 =	vshll.u32 v5, $0x3  }
0xd8: {  	v12 =	vshll.u32 v7, $0x3;
	v14 =	vshll.u32 v11, $0x3;
	v19 =	vand.u32 $0xFFFFC07F, v5  }
0xd9: {  	v20 =	vand.u32 $0xFFFFC07F, v6;
	v21 =	vand.u32 $0xFFFFC07F, v7;
	v22 =	vand.u32 $0xFFFFC07F, v8  }
0xda: {  	v10 =	vld [tilespmem:s26+$0x20];
	v2 =	vand.u32 $0x3C00, v2;
	v3 =	vand.u32 $0x380, v3;
	v15 =	vand.u32 $0x3C00, v4  }
0xdb: {  	v12 =	vand.u32 $0x3C00, v12;
	v4 =	vshrl.u32 v11, $0x4;
	v16 =	vand.u32 $0x3C00, v14  }
0xdc: {  	v11 =	vand.u32 $0xFFFFC07F, v11;
	v14 =	vand.u32 $0xFFFFC07F, v9;
	v1 =	vor.u32 v2, v1  }
0xdd: {  	v2 =	vshll.u32 v6, $0x3;
	v12 =	vor.u32 v12, v21;
	v13 =	vor.u32 v3, v1  }
0xde: {  	v17 =	vand.u32 $0x3C00, v2;
	v1 =	vshll.u32 v8, $0x3;
	v2 =	vshrl.u32 v5, $0x4  }
0xdf: {  	v3 =	vshll.u32 v10, $0x3;
	v5 =	vshrl.u32 v6, $0x4;
	v6 =	vshrl.u32 v7, $0x4  }
0xe0: {  	v7 =	vshrl.u32 v8, $0x4;
	v8 =	vshrl.u32 v9, $0x4;
	v18 =	vand.u32 $0x3C00, v1  }
0xe1: {  	v1 =	vshll.u32 v9, $0x3;
	v3 =	vand.u32 $0x3C00, v3;
	v9 =	vshrl.u32 v10, $0x4  }
0xe2: {  	v1 =	vand.u32 $0x3C00, v1;
	[tilespmem:v13+s15+$0x0] =	vst.idx.msk $0xffff, v0;
	v13 =	vor.u32 v16, v11;
	v11 =	vor.u32 v15, v19  }
0xe3: {  	s28 =	simm.s32 $0xC0;
	s26 =	simm.s32 $0x0;
	v16 =	vand.u32 $0xFFFFC07F, v10;
	v15 =	vor.u32 v17, v20;
	v10 =	vor.u32 v18, v22  }
.LBB2_8:
0xe4: {  	v17 =	vld [tilespmem:s28+$0x30];
	s26 =	sadd.s32 $0x80, s26;
	v4 =	vand.u32 $0x380, v4;
	v1 =	vor.u32 v1, v14;
	v3 =	vor.u32 v3, v16  }
0xe5: {  	v2 =	vand.u32 $0x380, v2;
	v5 =	vand.u32 $0x380, v5;
	v6 =	vand.u32 $0x380, v6;
	v14 =	vld [tilespmem:s28+$0xFFFFFFD0];
	p0 =	slt.u32 s26, $0x4080  }
0xe6: {  	v7 =	vand.u32 $0x380, v7;
	v8 =	vand.u32 $0x380, v8;
	v9 =	vand.u32 $0x380, v9;
	v16 =	vld [tilespmem:s28+$0xFFFFFFE0]  }
0xe7: {  	v4 =	vor.u32 v4, v13;
	v2 =	vor.u32 v2, v11;
	v5 =	vor.u32 v5, v15;
	v18 =	vld [tilespmem:s28+$0xFFFFFFF0]  }
0xe8: {  	v6 =	vor.u32 v6, v12;
	v7 =	vor.u32 v7, v10;
	v8 =	vor.u32 v8, v1;
	v11 =	vld [tilespmem:s28+$0x0]  }
0xe9: {  	v9 =	vor.u32 v9, v3;
	v10 =	vld [tilespmem:s28+$0x10];
	v1 =	vshll.u32 v17, $0x3  }
0xea: {  	v3 =	vshrl.u32 v17, $0x4;
	v13 =	vand.u32 $0xFFFFC07F, v17;
	v12 =	vld [tilespmem:s28+$0x20];
	v1 =	vand.u32 $0x3C00, v1  }
0xeb: {  	v17 =	vshll.u32 v14, $0x3;
	v3 =	vand.u32 $0x380, v3;
	v15 =	vld [tilespmem:s28+$0xFFFFFFC0];
	v1 =	vor.u32 v1, v13  }
0xec: {  	v13 =	vshll.u32 v16, $0x3;
	v19 =	vshll.u32 v18, $0x3;
	v20 =	vor.u32 v3, v1;
	[tilespmem:v4+s15+$0x0] =	vst.idx.msk $0xffff, v0  }
0xed: {  	v17 =	vand.u32 $0x3C00, v17;
	v21 =	vand.u32 $0x3C00, v13;
	v1 =	vshll.u32 v11, $0x3;
	[tilespmem:v2+s15+$0x0] =	vst.idx.msk $0xffff, v0  }
0xee: {  	v19 =	vand.u32 $0x3C00, v19;
	v22 =	vand.u32 $0x3C00, v1;
	v1 =	vshll.u32 v10, $0x3;
	[tilespmem:v5+s15+$0x0] =	vst.idx.msk $0xffff, v0  }
0xef: {  	v2 =	vshrl.u32 v14, $0x4;
	v1 =	vand.u32 $0x3C00, v1;
	v3 =	vshll.u32 v12, $0x3;
	[tilespmem:v6+s15+$0x0] =	vst.idx.msk $0xffff, v0  }
0xf0: {  	v5 =	vshll.u32 v15, $0x3;
	v4 =	vshrl.u32 v15, $0x4;
	v3 =	vand.u32 $0x3C00, v3;
	[tilespmem:v7+s15+$0x0] =	vst.idx.msk $0xffff, v0  }
0xf1: {  	v23 =	vand.u32 $0xFFFFC07F, v14;
	v15 =	vand.u32 $0xFFFFC07F, v15;
	v13 =	vand.u32 $0x3C00, v5;
	[tilespmem:v20+s15+$0x0] =	vst.idx.msk $0xffff, v0  }
.Ltmp3:
0xf2: {  	v6 =	vshrl.u32 v18, $0x4;
	v5 =	vshrl.u32 v16, $0x4;
	v20 =	vand.u32 $0xFFFFC07F, v16;
	[tilespmem:v8+s15+$0x0] =	vst.idx.msk $0xffff, v0;
	(pc) =	sbr.rel @p0 .LBB2_8-.Ltmp3, $4  }
0xf3: {  	v24 =	vand.u32 $0xFFFFC07F, v11;
	v18 =	vand.u32 $0xFFFFC07F, v18;
	v7 =	vshrl.u32 v11, $0x4;
	[tilespmem:v9+s15+$0x0] =	vst.idx.msk $0xffff, v0  }
0xf4: {  	v14 =	vand.u32 $0xFFFFC07F, v10;
	v8 =	vshrl.u32 v10, $0x4;
	v9 =	vshrl.u32 v12, $0x4  }
0xf5: {  	v11 =	vor.u32 v17, v23;
	v16 =	vand.u32 $0xFFFFC07F, v12;
	v13 =	vor.u32 v13, v15  }
0xf6: {  	s28 =	sadd.s32 $0x80, s28;
	v15 =	vor.u32 v21, v20;
	v10 =	vor.u32 v22, v24;
	v12 =	vor.u32 v19, v18  }
0xf7: {  	v4 =	vand.u32 $0x380, v4  }
0xf8: {  	v2 =	vand.u32 $0x380, v2;
	v4 =	vor.u32 v4, v13  }
0xf9: {  	v5 =	vand.u32 $0x380, v5;
	v2 =	vor.u32 v2, v11  }
0xfa: {  	v6 =	vand.u32 $0x380, v6;
	v5 =	vor.u32 v5, v15  }
0xfb: {  	v7 =	vand.u32 $0x380, v7;
	v6 =	vor.u32 v6, v12  }
0xfc: {  	v1 =	vor.u32 v1, v14;
	v8 =	vand.u32 $0x380, v8;
	v7 =	vor.u32 v7, v10  }
0xfd: {  	v3 =	vor.u32 v3, v16;
	v9 =	vand.u32 $0x380, v9;
	v1 =	vor.u32 v8, v1;
	[tilespmem:v4+s15+$0x0] =	vst.idx.msk $0xffff, v0  }
0xfe: {  	v3 =	vor.u32 v9, v3;
	[tilespmem:v2+s15+$0x0] =	vst.idx.msk $0xffff, v0  }
0xff: {  	[tilespmem:v5+s15+$0x0] =	vst.idx.msk $0xffff, v0  }
0x100: {  	[tilespmem:v6+s15+$0x0] =	vst.idx.msk $0xffff, v0  }
0x101: {  	[tilespmem:v7+s15+$0x0] =	vst.idx.msk $0xffff, v0  }
0x102: {  	[tilespmem:v1+s15+$0x0] =	vst.idx.msk $0xffff, v0  }
0x103: {  	[tilespmem:v3+s15+$0x0] =	vst.idx.msk $0xffff, v0  }
0x104: {  	[hbm4b:s12+s2] =	stream.linear.scatter [tilespmem:s15], [sflag:$0x4], $0x8000, $0x38;
	[tilespmem:$0x1C100] =	vst v63  }
0x105: {  	_ =	swait.ge [sflag:s21], $0x8000  }
0x106: {  	[sflag:s21] =	ssyncset.done $0x0  }
0x107: {  	s26 =	simm.s32 $0x40;
	[sflag:s21] =	ssyncadd.s32 $0xFFFF8000  }
0x108: {  	v1 =	vld [tilespmem:s26+$0x30]  }
0x109: {  	v5 =	vld [tilespmem:s26+$0xFFFFFFD0]  }
0x10a: {  	v6 =	vld [tilespmem:s26+$0xFFFFFFE0]  }
0x10b: {  	v7 =	vld [tilespmem:s26+$0xFFFFFFF0]  }
0x10c: {  	v11 =	vld [tilespmem:s26+$0xFFFFFFC0]  }
0x10d: {  	v8 =	vld [tilespmem:s26+$0x0];
	_ =	sdelay $0x1  }
0x10e: {  	v2 =	vshll.u32 v1, $0x3  }
0x10f: {  	v9 =	vld [tilespmem:s26+$0x10];
	v3 =	vshrl.u32 v1, $0x4;
	v1 =	vand.u32 $0xFFFFC07F, v1;
	v4 =	vshll.u32 v5, $0x3  }
0x110: {  	v12 =	vshll.u32 v7, $0x3;
	v14 =	vshll.u32 v11, $0x3;
	v19 =	vand.u32 $0xFFFFC07F, v5  }
0x111: {  	v20 =	vand.u32 $0xFFFFC07F, v6;
	v21 =	vand.u32 $0xFFFFC07F, v7;
	v22 =	vand.u32 $0xFFFFC07F, v8  }
0x112: {  	v10 =	vld [tilespmem:s26+$0x20];
	v2 =	vand.u32 $0x3C00, v2;
	v3 =	vand.u32 $0x380, v3;
	v15 =	vand.u32 $0x3C00, v4  }
0x113: {  	v12 =	vand.u32 $0x3C00, v12;
	v4 =	vshrl.u32 v11, $0x4;
	v16 =	vand.u32 $0x3C00, v14  }
0x114: {  	v11 =	vand.u32 $0xFFFFC07F, v11;
	v14 =	vand.u32 $0xFFFFC07F, v9;
	v1 =	vor.u32 v2, v1  }
0x115: {  	v2 =	vshll.u32 v6, $0x3;
	v12 =	vor.u32 v12, v21;
	v13 =	vor.u32 v3, v1  }
0x116: {  	v17 =	vand.u32 $0x3C00, v2;
	v1 =	vshll.u32 v8, $0x3;
	v2 =	vshrl.u32 v5, $0x4  }
0x117: {  	v3 =	vshll.u32 v10, $0x3;
	v5 =	vshrl.u32 v6, $0x4;
	v6 =	vshrl.u32 v7, $0x4  }
0x118: {  	v7 =	vshrl.u32 v8, $0x4;
	v8 =	vshrl.u32 v9, $0x4;
	v18 =	vand.u32 $0x3C00, v1  }
0x119: {  	v1 =	vshll.u32 v9, $0x3;
	v3 =	vand.u32 $0x3C00, v3;
	v9 =	vshrl.u32 v10, $0x4  }
0x11a: {  	v1 =	vand.u32 $0x3C00, v1;
	[tilespmem:v13+s16+$0x0] =	vst.idx.msk $0xffff, v0;
	v13 =	vor.u32 v16, v11;
	v11 =	vor.u32 v15, v19  }
0x11b: {  	s28 =	simm.s32 $0xC0;
	s26 =	simm.s32 $0x0;
	v16 =	vand.u32 $0xFFFFC07F, v10;
	v15 =	vor.u32 v17, v20;
	v10 =	vor.u32 v18, v22  }
.LBB2_10:
0x11c: {  	v17 =	vld [tilespmem:s28+$0x30];
	s26 =	sadd.s32 $0x80, s26;
	v4 =	vand.u32 $0x380, v4;
	v1 =	vor.u32 v1, v14;
	v3 =	vor.u32 v3, v16  }
0x11d: {  	v2 =	vand.u32 $0x380, v2;
	v5 =	vand.u32 $0x380, v5;
	v6 =	vand.u32 $0x380, v6;
	v14 =	vld [tilespmem:s28+$0xFFFFFFD0];
	p0 =	slt.u32 s26, $0x4080  }
0x11e: {  	v7 =	vand.u32 $0x380, v7;
	v8 =	vand.u32 $0x380, v8;
	v9 =	vand.u32 $0x380, v9;
	v16 =	vld [tilespmem:s28+$0xFFFFFFE0]  }
0x11f: {  	v4 =	vor.u32 v4, v13;
	v2 =	vor.u32 v2, v11;
	v5 =	vor.u32 v5, v15;
	v18 =	vld [tilespmem:s28+$0xFFFFFFF0]  }
0x120: {  	v6 =	vor.u32 v6, v12;
	v7 =	vor.u32 v7, v10;
	v8 =	vor.u32 v8, v1;
	v11 =	vld [tilespmem:s28+$0x0]  }
0x121: {  	v9 =	vor.u32 v9, v3;
	v10 =	vld [tilespmem:s28+$0x10];
	v1 =	vshll.u32 v17, $0x3  }
0x122: {  	v3 =	vshrl.u32 v17, $0x4;
	v13 =	vand.u32 $0xFFFFC07F, v17;
	v12 =	vld [tilespmem:s28+$0x20];
	v1 =	vand.u32 $0x3C00, v1  }
0x123: {  	v17 =	vshll.u32 v14, $0x3;
	v3 =	vand.u32 $0x380, v3;
	v15 =	vld [tilespmem:s28+$0xFFFFFFC0];
	v1 =	vor.u32 v1, v13  }
0x124: {  	v13 =	vshll.u32 v16, $0x3;
	v19 =	vshll.u32 v18, $0x3;
	v20 =	vor.u32 v3, v1;
	[tilespmem:v4+s16+$0x0] =	vst.idx.msk $0xffff, v0  }
0x125: {  	v17 =	vand.u32 $0x3C00, v17;
	v21 =	vand.u32 $0x3C00, v13;
	v1 =	vshll.u32 v11, $0x3;
	[tilespmem:v2+s16+$0x0] =	vst.idx.msk $0xffff, v0  }
0x126: {  	v19 =	vand.u32 $0x3C00, v19;
	v22 =	vand.u32 $0x3C00, v1;
	v1 =	vshll.u32 v10, $0x3;
	[tilespmem:v5+s16+$0x0] =	vst.idx.msk $0xffff, v0  }
0x127: {  	v2 =	vshrl.u32 v14, $0x4;
	v1 =	vand.u32 $0x3C00, v1;
	v3 =	vshll.u32 v12, $0x3;
	[tilespmem:v6+s16+$0x0] =	vst.idx.msk $0xffff, v0  }
0x128: {  	v5 =	vshll.u32 v15, $0x3;
	v4 =	vshrl.u32 v15, $0x4;
	v3 =	vand.u32 $0x3C00, v3;
	[tilespmem:v7+s16+$0x0] =	vst.idx.msk $0xffff, v0  }
0x129: {  	v23 =	vand.u32 $0xFFFFC07F, v14;
	v15 =	vand.u32 $0xFFFFC07F, v15;
	v13 =	vand.u32 $0x3C00, v5;
	[tilespmem:v20+s16+$0x0] =	vst.idx.msk $0xffff, v0  }
.Ltmp4:
0x12a: {  	v6 =	vshrl.u32 v18, $0x4;
	v5 =	vshrl.u32 v16, $0x4;
	v20 =	vand.u32 $0xFFFFC07F, v16;
	[tilespmem:v8+s16+$0x0] =	vst.idx.msk $0xffff, v0;
	(pc) =	sbr.rel @p0 .LBB2_10-.Ltmp4, $4  }
0x12b: {  	v24 =	vand.u32 $0xFFFFC07F, v11;
	v18 =	vand.u32 $0xFFFFC07F, v18;
	v7 =	vshrl.u32 v11, $0x4;
	[tilespmem:v9+s16+$0x0] =	vst.idx.msk $0xffff, v0  }
0x12c: {  	v14 =	vand.u32 $0xFFFFC07F, v10;
	v8 =	vshrl.u32 v10, $0x4;
	v9 =	vshrl.u32 v12, $0x4  }
0x12d: {  	v11 =	vor.u32 v17, v23;
	v16 =	vand.u32 $0xFFFFC07F, v12;
	v13 =	vor.u32 v13, v15  }
0x12e: {  	s28 =	sadd.s32 $0x80, s28;
	v15 =	vor.u32 v21, v20;
	v10 =	vor.u32 v22, v24;
	v12 =	vor.u32 v19, v18  }
0x12f: {  	v4 =	vand.u32 $0x380, v4  }
0x130: {  	v2 =	vand.u32 $0x380, v2;
	v4 =	vor.u32 v4, v13  }
0x131: {  	v5 =	vand.u32 $0x380, v5;
	v2 =	vor.u32 v2, v11  }
0x132: {  	v6 =	vand.u32 $0x380, v6;
	v5 =	vor.u32 v5, v15  }
0x133: {  	v7 =	vand.u32 $0x380, v7;
	v6 =	vor.u32 v6, v12  }
0x134: {  	v1 =	vor.u32 v1, v14;
	v8 =	vand.u32 $0x380, v8;
	v7 =	vor.u32 v7, v10  }
0x135: {  	v3 =	vor.u32 v3, v16;
	v9 =	vand.u32 $0x380, v9;
	v1 =	vor.u32 v8, v1;
	[tilespmem:v4+s16+$0x0] =	vst.idx.msk $0xffff, v0  }
0x136: {  	v3 =	vor.u32 v9, v3;
	[tilespmem:v2+s16+$0x0] =	vst.idx.msk $0xffff, v0  }
0x137: {  	[tilespmem:v5+s16+$0x0] =	vst.idx.msk $0xffff, v0  }
0x138: {  	[tilespmem:v6+s16+$0x0] =	vst.idx.msk $0xffff, v0  }
0x139: {  	[tilespmem:v7+s16+$0x0] =	vst.idx.msk $0xffff, v0  }
0x13a: {  	[tilespmem:v1+s16+$0x0] =	vst.idx.msk $0xffff, v0  }
0x13b: {  	[tilespmem:v3+s16+$0x0] =	vst.idx.msk $0xffff, v0  }
0x13c: {  	[hbm4b:s13+s2] =	stream.linear.scatter [tilespmem:s16], [sflag:$0x5], $0x8000, $0x38;
	[tilespmem:$0x1C100] =	vst v63  }
0x13d: {  	_ =	swait.ge [sflag:s20], $0x8000  }
0x13e: {  	[sflag:s20] =	ssyncset.done $0x0  }
0x13f: {  	s25 =	sadd.s32 $0x1, s25;
	[sflag:s20] =	ssyncadd.s32 $0xFFFF8000  }
0x140: {  	p0 =	sne.s32 s25, s14;
	_ =	swait.ge [sflag:s22], $0x8000  }
.Ltmp5:
0x141: {  	[sflag:s22] =	ssyncset.done $0x0;
	(pc) =	sbr.rel @p0 .LBB2_1-.Ltmp5, $4  }
0x142: {  	[sflag:s22] =	ssyncadd.s32 $0xFFFF8000  }
0x143: {  	_ =	swait.ge [sflag:s24], $0x8000  }
0x144: {  	[sflag:s24] =	ssyncset.done $0x0  }
0x145: {  	[sflag:s24] =	ssyncadd.s32 $0xFFFF8000  }
0x146: {  	_ =	sfence.sel $0x180000  }
0x147: {  	[bflag:$0x0] =	sbarrier.arrive $0xFFFF  }
0x148: {  	p0 =	sne.s32 s1, $0x0;
	_ =	strace $0x90000047  }
0x149: {  	s0 =	sadd.s32 @!p0 $0x100000, s0;
	[bflag:$0x2] =	sbarrier.arrive $0xFFFF  }
0x14a: {  	[sflag:s0] =	ssyncadd.tile.s32 @!p0 $0x1;
	_ =	shalt  }
.Lfunc_end2:
_tile_overlayer_lowered:
.L_overlay_start_2:
0x14b: {  	(tag) =	ssettag $0x2  }
0x14c: {  	s0 =	rddreg [dreg:$0x0];
	s2 =	stileid.u32  }
0x14d: {  	s1 =	rddreg [dreg:$0x1];
	p0 =	sne.s32 s2, $0x0  }
0x14e: {  	s3 =	rddreg [dreg:$0x2];
	[bflag:$0x3] =	sbarrier.arrive $0xFFFF;
	s2 =	simm.s32 @!p0 $0x1C08  }
0x14f: {  	[timem:s3], [sflag:s2] =	dma.local @!p0 [hbm:s0], s1  }
0x150: {  	s0 =	simm.s32 @!p0 $0x8  }
0x151: {  	_ =	swait.ge @!p0 [sflag:s0], s1  }
0x152: {  	s1 =	ssub.s32 @!p0 $0x0, s1;
	[sflag:s0] =	ssyncset.done @!p0 $0x0  }
0x153: {  	[sflag:s0] =	ssyncadd.s32 @!p0 s1  }
0x154: {  	[bflag:$0x3] =	sbarrier.arrive $0xFFFF  }
0x155: {  	_ =	shalt  }

</sc_bundles>
